<compile_context>
chip_gen: v7x
topology: tpu7x:2x2x1
jax: 0.10.2.dev20260603
libtpu: 0.0.44.dev20260713+nightly
codegen_flags: <defaults>
</compile_context>

<pallas_src>
import functools

import jax
import jax.numpy as jnp
import numpy as np
from jax import lax
from jax.experimental import pallas as pl
from jax.experimental.pallas import tpu as pltpu
from jax.experimental.pallas import tpu_sc as plsc

_N = 4096

_info = plsc.get_sparse_core_info()
_NC, _NS = _info.num_cores, _info.num_subcores
_NW = _NC * _NS
_RW = _N // _NW
_CH = 16
_NCH = _RW // _CH

_EYE_PAD = np.zeros((_N + 1, _N), dtype=np.uint32)
np.fill_diagonal(_EYE_PAD, 1)


def _sc_body(g_hbm, epad_hbm, out_hbm, idx_v, rows_v, sem):
    wid = lax.axis_index("s") * _NC + lax.axis_index("c")
    base = wid * _RW
    for ch in range(_NCH):
        b = base + ch * _CH
        pltpu.sync_copy(g_hbm.at[pl.ds(b, _CH)], idx_v)
        pltpu.async_copy(epad_hbm.at[idx_v], rows_v, sem).wait()
        pltpu.sync_copy(rows_v, out_hbm.at[pl.ds(b, _CH)])


def kernel(t):
    shift64 = t.astype(jnp.int64) - _N
    s = jnp.clip(shift64, -_N, _N).astype(jnp.int32)
    idx0 = jnp.arange(_N, dtype=jnp.int32) + s
    g = jnp.where((idx0 >= 0) & (idx0 < _N), idx0, _N).astype(jnp.int32)
    epad = jnp.asarray(_EYE_PAD)
    mesh = plsc.VectorSubcoreMesh(core_axis_name="c", subcore_axis_name="s")
    run = functools.partial(
        pl.kernel,
        out_type=jax.ShapeDtypeStruct((_N, _N), jnp.uint32),
        mesh=mesh,
        scratch_types=[
            pltpu.VMEM((_CH,), jnp.int32),
            pltpu.VMEM((_CH, _N), jnp.uint32),
            pltpu.SemaphoreType.DMA,
        ],
    )(_sc_body)
    out32 = run(g, epad)
    return out32.astype(jnp.int64)

# --- scband reference (transcript-rebuilt; emitter-appended) ---
"""Pipeline reference for scband-my-model-61933428411860 (READ-ONLY COPY).

The authoritative reference and input builder live on the scoring server;
editing this copy changes nothing except your own understanding.
"""

import jax
jax.config.update("jax_enable_x64", True)
import jax.numpy as jnp
import numpy as np


def setup_inputs() -> dict:
    # t is a 0-d int64 tensor holding the dynamic size; the torch module calls t.item()
    t = jnp.array(4096, dtype=jnp.int64)
    return {"t": t}


def reference(t):
    # Faithful translation of:
    #   t_val = t.item()
    #   indices = torch.arange(0, t_val, dtype=torch.int64)
    #   return torch.nn.functional.one_hot(indices)
    # F.one_hot without num_classes infers num_classes = max(indices) + 1 = t_val,
    # producing a [t_val, t_val] int64 identity-like one-hot matrix.
    n = 4096
    indices = jnp.arange(0, n, dtype=jnp.int64) + (t - n).astype(jnp.int64)
    out = jax.nn.one_hot(indices, n, dtype=jnp.int64)
    return out

if __name__ == "__main__":
    import jax
    _d = setup_inputs()
    print(jax.jit(kernel)(*tuple(_d.values())))

</pallas_src>

<mosaic_0001>
#map = affine_map<(d0, d1) -> (0)>
#map1 = affine_map<(d0, d1) -> (0, 0)>
module attributes {stable_mosaic.version = 14 : i64} {
  func.func @_sc_body(%arg0: i32, %arg1: i32, %arg2: memref<4096xi32, #tpu.memory_space<hbm>>, %arg3: memref<4097x4096xi32, #tpu.memory_space<hbm>>, %arg4: memref<4096x4096xi32, #tpu.memory_space<hbm>>, %arg5: memref<16xi32, #tpu.memory_space<vmem>>, %arg6: memref<16x4096xi32, #tpu.memory_space<vmem>>, %arg7: memref<!tpu.dma_semaphore, #tpu.memory_space<semaphore_mem>>) attributes {dimension_semantics = [#tpu.dimension_semantics<core_parallel>, #tpu.dimension_semantics<subcore_parallel>], iteration_bounds = array<i64: 2, 16>, scalar_prefetch = 0 : i64, scratch_operands = 3 : i64, tpu.core_type = #tpu.core_type<sc_vector_subcore>, window_params = [{transform_indices = #map}, {transform_indices = #map1}, {transform_indices = #map1}]} {
    %mul3A = arith.constant 2 : i32
    %mul3A_0 = arith.muli %arg1, %mul3A : i32
    %add3A = arith.addi %mul3A_0, %arg0 : i32
    %mul3A_1 = arith.constant 128 : i32
    %mul3A_2 = arith.muli %add3A, %mul3A_1 : i32
    %add3A_3 = arith.constant 0 : i32
    %add3A_4 = arith.addi %mul3A_2, %add3A_3 : i32
    "tpu.region"() ({
      %run_scoped3A = tpu.sem_alloc : memref<!tpu.dma_semaphore, #tpu.memory_space<semaphore_mem>>
      %dma_start3A_65 = tpu.memref_slice %arg2[%add3A_4] : memref<4096xi32, #tpu.memory_space<hbm>> -> memref<16xi32, #tpu.memory_space<hbm>>
      %dma_start3A_66 = tpu.memref_slice %arg2[%add3A_4] : memref<4096xi32, #tpu.memory_space<hbm>> -> memref<16xi32, #tpu.memory_space<hbm>>
      tpu.enqueue_dma source(%dma_start3A_66 : memref<16xi32, #tpu.memory_space<hbm>>) target(%arg5 : memref<16xi32, #tpu.memory_space<vmem>>) target_semaphore(%run_scoped3A : memref<!tpu.dma_semaphore, #tpu.memory_space<semaphore_mem>>)
      %dma_wait3A_67 = tpu.memref_slice %arg2[%add3A_4] : memref<4096xi32, #tpu.memory_space<hbm>> -> memref<16xi32, #tpu.memory_space<hbm>>
      %dma_wait3A_68 = tpu.memref_slice %arg2[%add3A_4] : memref<4096xi32, #tpu.memory_space<hbm>> -> memref<16xi32, #tpu.memory_space<hbm>>
      tpu.wait_dma2 semaphore(%run_scoped3A : memref<!tpu.dma_semaphore, #tpu.memory_space<semaphore_mem>>) src(%dma_wait3A_68 : memref<16xi32, #tpu.memory_space<hbm>>) dst(%arg5 : memref<16xi32, #tpu.memory_space<vmem>>)
      tpu.yield
    }) : () -> ()
    %dma_start3A = arith.constant 0 : i32
    %dma_start3A_5 = arith.constant 0 : i32
    %dma_start3A_6 = tpu.memref_slice %arg3[%dma_start3A, %dma_start3A_5] : memref<4097x4096xi32, #tpu.memory_space<hbm>> -> memref<4097x4096xi32, #tpu.memory_space<hbm>>
    tpu.enqueue_indirect_dma source(%dma_start3A_6 : memref<4097x4096xi32, #tpu.memory_space<hbm>>) target(%arg6 : memref<16x4096xi32, #tpu.memory_space<vmem>>) offsets(%arg5 : memref<16xi32, #tpu.memory_space<vmem>>) semaphore(%arg7 : memref<!tpu.dma_semaphore, #tpu.memory_space<semaphore_mem>>)
    %dma_wait3A = arith.constant 0 : i32
    %dma_wait3A_7 = arith.constant 0 : i32
    %dma_wait3A_8 = tpu.memref_slice %arg3[%dma_wait3A, %dma_wait3A_7] : memref<4097x4096xi32, #tpu.memory_space<hbm>> -> memref<4097x4096xi32, #tpu.memory_space<hbm>>
    tpu.wait_indirect_dma semaphore(%arg7 : memref<!tpu.dma_semaphore, #tpu.memory_space<semaphore_mem>>) src(%dma_wait3A_8 : memref<4097x4096xi32, #tpu.memory_space<hbm>>) dst(%arg6 : memref<16x4096xi32, #tpu.memory_space<vmem>>)
    "tpu.region"() ({
      %run_scoped3A = tpu.sem_alloc : memref<!tpu.dma_semaphore, #tpu.memory_space<semaphore_mem>>
      %dma_start3A_65 = arith.constant 0 : i32
      %dma_start3A_66 = tpu.memref_slice %arg4[%add3A_4, %dma_start3A_65] : memref<4096x4096xi32, #tpu.memory_space<hbm>> -> memref<16x4096xi32, #tpu.memory_space<hbm>>
      %dma_start3A_67 = arith.constant 0 : i32
      %dma_start3A_68 = tpu.memref_slice %arg4[%add3A_4, %dma_start3A_67] : memref<4096x4096xi32, #tpu.memory_space<hbm>> -> memref<16x4096xi32, #tpu.memory_space<hbm>>
      tpu.enqueue_dma source(%arg6 : memref<16x4096xi32, #tpu.memory_space<vmem>>) target(%dma_start3A_68 : memref<16x4096xi32, #tpu.memory_space<hbm>>) target_semaphore(%run_scoped3A : memref<!tpu.dma_semaphore, #tpu.memory_space<semaphore_mem>>)
      %dma_wait3A_69 = arith.constant 0 : i32
      %dma_wait3A_70 = tpu.memref_slice %arg4[%add3A_4, %dma_wait3A_69] : memref<4096x4096xi32, #tpu.memory_space<hbm>> -> memref<16x4096xi32, #tpu.memory_space<hbm>>
      %dma_wait3A_71 = arith.constant 0 : i32
      %dma_wait3A_72 = tpu.memref_slice %arg4[%add3A_4, %dma_wait3A_71] : memref<4096x4096xi32, #tpu.memory_space<hbm>> -> memref<16x4096xi32, #tpu.memory_space<hbm>>
      tpu.wait_dma2 semaphore(%run_scoped3A : memref<!tpu.dma_semaphore, #tpu.memory_space<semaphore_mem>>) src(%arg6 : memref<16x4096xi32, #tpu.memory_space<vmem>>) dst(%dma_wait3A_72 : memref<16x4096xi32, #tpu.memory_space<hbm>>)
      tpu.yield
    }) : () -> ()
    %add3A_9 = arith.constant 16 : i32
    %add3A_10 = arith.addi %mul3A_2, %add3A_9 : i32
    "tpu.region"() ({
      %run_scoped3A = tpu.sem_alloc : memref<!tpu.dma_semaphore, #tpu.memory_space<semaphore_mem>>
      %dma_start3A_65 = tpu.memref_slice %arg2[%add3A_10] : memref<4096xi32, #tpu.memory_space<hbm>> -> memref<16xi32, #tpu.memory_space<hbm>>
      %dma_start3A_66 = tpu.memref_slice %arg2[%add3A_10] : memref<4096xi32, #tpu.memory_space<hbm>> -> memref<16xi32, #tpu.memory_space<hbm>>
      tpu.enqueue_dma source(%dma_start3A_66 : memref<16xi32, #tpu.memory_space<hbm>>) target(%arg5 : memref<16xi32, #tpu.memory_space<vmem>>) target_semaphore(%run_scoped3A : memref<!tpu.dma_semaphore, #tpu.memory_space<semaphore_mem>>)
      %dma_wait3A_67 = tpu.memref_slice %arg2[%add3A_10] : memref<4096xi32, #tpu.memory_space<hbm>> -> memref<16xi32, #tpu.memory_space<hbm>>
      %dma_wait3A_68 = tpu.memref_slice %arg2[%add3A_10] : memref<4096xi32, #tpu.memory_space<hbm>> -> memref<16xi32, #tpu.memory_space<hbm>>
      tpu.wait_dma2 semaphore(%run_scoped3A : memref<!tpu.dma_semaphore, #tpu.memory_space<semaphore_mem>>) src(%dma_wait3A_68 : memref<16xi32, #tpu.memory_space<hbm>>) dst(%arg5 : memref<16xi32, #tpu.memory_space<vmem>>)
      tpu.yield
    }) : () -> ()
    %dma_start3A_11 = arith.constant 0 : i32
    %dma_start3A_12 = arith.constant 0 : i32
    %dma_start3A_13 = tpu.memref_slice %arg3[%dma_start3A_11, %dma_start3A_12] : memref<4097x4096xi32, #tpu.memory_space<hbm>> -> memref<4097x4096xi32, #tpu.memory_space<hbm>>
    tpu.enqueue_indirect_dma source(%dma_start3A_13 : memref<4097x4096xi32, #tpu.memory_space<hbm>>) target(%arg6 : memref<16x4096xi32, #tpu.memory_space<vmem>>) offsets(%arg5 : memref<16xi32, #tpu.memory_space<vmem>>) semaphore(%arg7 : memref<!tpu.dma_semaphore, #tpu.memory_space<semaphore_mem>>)
    %dma_wait3A_14 = arith.constant 0 : i32
    %dma_wait3A_15 = arith.constant 0 : i32
    %dma_wait3A_16 = tpu.memref_slice %arg3[%dma_wait3A_14, %dma_wait3A_15] : memref<4097x4096xi32, #tpu.memory_space<hbm>> -> memref<4097x4096xi32, #tpu.memory_space<hbm>>
    tpu.wait_indirect_dma semaphore(%arg7 : memref<!tpu.dma_semaphore, #tpu.memory_space<semaphore_mem>>) src(%dma_wait3A_16 : memref<4097x4096xi32, #tpu.memory_space<hbm>>) dst(%arg6 : memref<16x4096xi32, #tpu.memory_space<vmem>>)
    "tpu.region"() ({
      %run_scoped3A = tpu.sem_alloc : memref<!tpu.dma_semaphore, #tpu.memory_space<semaphore_mem>>
      %dma_start3A_65 = arith.constant 0 : i32
      %dma_start3A_66 = tpu.memref_slice %arg4[%add3A_10, %dma_start3A_65] : memref<4096x4096xi32, #tpu.memory_space<hbm>> -> memref<16x4096xi32, #tpu.memory_space<hbm>>
      %dma_start3A_67 = arith.constant 0 : i32
      %dma_start3A_68 = tpu.memref_slice %arg4[%add3A_10, %dma_start3A_67] : memref<4096x4096xi32, #tpu.memory_space<hbm>> -> memref<16x4096xi32, #tpu.memory_space<hbm>>
      tpu.enqueue_dma source(%arg6 : memref<16x4096xi32, #tpu.memory_space<vmem>>) target(%dma_start3A_68 : memref<16x4096xi32, #tpu.memory_space<hbm>>) target_semaphore(%run_scoped3A : memref<!tpu.dma_semaphore, #tpu.memory_space<semaphore_mem>>)
      %dma_wait3A_69 = arith.constant 0 : i32
      %dma_wait3A_70 = tpu.memref_slice %arg4[%add3A_10, %dma_wait3A_69] : memref<4096x4096xi32, #tpu.memory_space<hbm>> -> memref<16x4096xi32, #tpu.memory_space<hbm>>
      %dma_wait3A_71 = arith.constant 0 : i32
      %dma_wait3A_72 = tpu.memref_slice %arg4[%add3A_10, %dma_wait3A_71] : memref<4096x4096xi32, #tpu.memory_space<hbm>> -> memref<16x4096xi32, #tpu.memory_space<hbm>>
      tpu.wait_dma2 semaphore(%run_scoped3A : memref<!tpu.dma_semaphore, #tpu.memory_space<semaphore_mem>>) src(%arg6 : memref<16x4096xi32, #tpu.memory_space<vmem>>) dst(%dma_wait3A_72 : memref<16x4096xi32, #tpu.memory_space<hbm>>)
      tpu.yield
    }) : () -> ()
    %add3A_17 = arith.constant 32 : i32
    %add3A_18 = arith.addi %mul3A_2, %add3A_17 : i32
    "tpu.region"() ({
      %run_scoped3A = tpu.sem_alloc : memref<!tpu.dma_semaphore, #tpu.memory_space<semaphore_mem>>
      %dma_start3A_65 = tpu.memref_slice %arg2[%add3A_18] : memref<4096xi32, #tpu.memory_space<hbm>> -> memref<16xi32, #tpu.memory_space<hbm>>
      %dma_start3A_66 = tpu.memref_slice %arg2[%add3A_18] : memref<4096xi32, #tpu.memory_space<hbm>> -> memref<16xi32, #tpu.memory_space<hbm>>
      tpu.enqueue_dma source(%dma_start3A_66 : memref<16xi32, #tpu.memory_space<hbm>>) target(%arg5 : memref<16xi32, #tpu.memory_space<vmem>>) target_semaphore(%run_scoped3A : memref<!tpu.dma_semaphore, #tpu.memory_space<semaphore_mem>>)
      %dma_wait3A_67 = tpu.memref_slice %arg2[%add3A_18] : memref<4096xi32, #tpu.memory_space<hbm>> -> memref<16xi32, #tpu.memory_space<hbm>>
      %dma_wait3A_68 = tpu.memref_slice %arg2[%add3A_18] : memref<4096xi32, #tpu.memory_space<hbm>> -> memref<16xi32, #tpu.memory_space<hbm>>
      tpu.wait_dma2 semaphore(%run_scoped3A : memref<!tpu.dma_semaphore, #tpu.memory_space<semaphore_mem>>) src(%dma_wait3A_68 : memref<16xi32, #tpu.memory_space<hbm>>) dst(%arg5 : memref<16xi32, #tpu.memory_space<vmem>>)
      tpu.yield
    }) : () -> ()
    %dma_start3A_19 = arith.constant 0 : i32
    %dma_start3A_20 = arith.constant 0 : i32
    %dma_start3A_21 = tpu.memref_slice %arg3[%dma_start3A_19, %dma_start3A_20] : memref<4097x4096xi32, #tpu.memory_space<hbm>> -> memref<4097x4096xi32, #tpu.memory_space<hbm>>
    tpu.enqueue_indirect_dma source(%dma_start3A_21 : memref<4097x4096xi32, #tpu.memory_space<hbm>>) target(%arg6 : memref<16x4096xi32, #tpu.memory_space<vmem>>) offsets(%arg5 : memref<16xi32, #tpu.memory_space<vmem>>) semaphore(%arg7 : memref<!tpu.dma_semaphore, #tpu.memory_space<semaphore_mem>>)
    %dma_wait3A_22 = arith.constant 0 : i32
    %dma_wait3A_23 = arith.constant 0 : i32
    %dma_wait3A_24 = tpu.memref_slice %arg3[%dma_wait3A_22, %dma_wait3A_23] : memref<4097x4096xi32, #tpu.memory_space<hbm>> -> memref<4097x4096xi32, #tpu.memory_space<hbm>>
    tpu.wait_indirect_dma semaphore(%arg7 : memref<!tpu.dma_semaphore, #tpu.memory_space<semaphore_mem>>) src(%dma_wait3A_24 : memref<4097x4096xi32, #tpu.memory_space<hbm>>) dst(%arg6 : memref<16x4096xi32, #tpu.memory_space<vmem>>)
    "tpu.region"() ({
      %run_scoped3A = tpu.sem_alloc : memref<!tpu.dma_semaphore, #tpu.memory_space<semaphore_mem>>
      %dma_start3A_65 = arith.constant 0 : i32
      %dma_start3A_66 = tpu.memref_slice %arg4[%add3A_18, %dma_start3A_65] : memref<4096x4096xi32, #tpu.memory_space<hbm>> -> memref<16x4096xi32, #tpu.memory_space<hbm>>
      %dma_start3A_67 = arith.constant 0 : i32
      %dma_start3A_68 = tpu.memref_slice %arg4[%add3A_18, %dma_start3A_67] : memref<4096x4096xi32, #tpu.memory_space<hbm>> -> memref<16x4096xi32, #tpu.memory_space<hbm>>
      tpu.enqueue_dma source(%arg6 : memref<16x4096xi32, #tpu.memory_space<vmem>>) target(%dma_start3A_68 : memref<16x4096xi32, #tpu.memory_space<hbm>>) target_semaphore(%run_scoped3A : memref<!tpu.dma_semaphore, #tpu.memory_space<semaphore_mem>>)
      %dma_wait3A_69 = arith.constant 0 : i32
      %dma_wait3A_70 = tpu.memref_slice %arg4[%add3A_18, %dma_wait3A_69] : memref<4096x4096xi32, #tpu.memory_space<hbm>> -> memref<16x4096xi32, #tpu.memory_space<hbm>>
      %dma_wait3A_71 = arith.constant 0 : i32
      %dma_wait3A_72 = tpu.memref_slice %arg4[%add3A_18, %dma_wait3A_71] : memref<4096x4096xi32, #tpu.memory_space<hbm>> -> memref<16x4096xi32, #tpu.memory_space<hbm>>
      tpu.wait_dma2 semaphore(%run_scoped3A : memref<!tpu.dma_semaphore, #tpu.memory_space<semaphore_mem>>) src(%arg6 : memref<16x4096xi32, #tpu.memory_space<vmem>>) dst(%dma_wait3A_72 : memref<16x4096xi32, #tpu.memory_space<hbm>>)
      tpu.yield
    }) : () -> ()
    %add3A_25 = arith.constant 48 : i32
    %add3A_26 = arith.addi %mul3A_2, %add3A_25 : i32
    "tpu.region"() ({
      %run_scoped3A = tpu.sem_alloc : memref<!tpu.dma_semaphore, #tpu.memory_space<semaphore_mem>>
      %dma_start3A_65 = tpu.memref_slice %arg2[%add3A_26] : memref<4096xi32, #tpu.memory_space<hbm>> -> memref<16xi32, #tpu.memory_space<hbm>>
      %dma_start3A_66 = tpu.memref_slice %arg2[%add3A_26] : memref<4096xi32, #tpu.memory_space<hbm>> -> memref<16xi32, #tpu.memory_space<hbm>>
      tpu.enqueue_dma source(%dma_start3A_66 : memref<16xi32, #tpu.memory_space<hbm>>) target(%arg5 : memref<16xi32, #tpu.memory_space<vmem>>) target_semaphore(%run_scoped3A : memref<!tpu.dma_semaphore, #tpu.memory_space<semaphore_mem>>)
      %dma_wait3A_67 = tpu.memref_slice %arg2[%add3A_26] : memref<4096xi32, #tpu.memory_space<hbm>> -> memref<16xi32, #tpu.memory_space<hbm>>
      %dma_wait3A_68 = tpu.memref_slice %arg2[%add3A_26] : memref<4096xi32, #tpu.memory_space<hbm>> -> memref<16xi32, #tpu.memory_space<hbm>>
      tpu.wait_dma2 semaphore(%run_scoped3A : memref<!tpu.dma_semaphore, #tpu.memory_space<semaphore_mem>>) src(%dma_wait3A_68 : memref<16xi32, #tpu.memory_space<hbm>>) dst(%arg5 : memref<16xi32, #tpu.memory_space<vmem>>)
      tpu.yield
    }) : () -> ()
    %dma_start3A_27 = arith.constant 0 : i32
    %dma_start3A_28 = arith.constant 0 : i32
    %dma_start3A_29 = tpu.memref_slice %arg3[%dma_start3A_27, %dma_start3A_28] : memref<4097x4096xi32, #tpu.memory_space<hbm>> -> memref<4097x4096xi32, #tpu.memory_space<hbm>>
    tpu.enqueue_indirect_dma source(%dma_start3A_29 : memref<4097x4096xi32, #tpu.memory_space<hbm>>) target(%arg6 : memref<16x4096xi32, #tpu.memory_space<vmem>>) offsets(%arg5 : memref<16xi32, #tpu.memory_space<vmem>>) semaphore(%arg7 : memref<!tpu.dma_semaphore, #tpu.memory_space<semaphore_mem>>)
    %dma_wait3A_30 = arith.constant 0 : i32
    %dma_wait3A_31 = arith.constant 0 : i32
    %dma_wait3A_32 = tpu.memref_slice %arg3[%dma_wait3A_30, %dma_wait3A_31] : memref<4097x4096xi32, #tpu.memory_space<hbm>> -> memref<4097x4096xi32, #tpu.memory_space<hbm>>
    tpu.wait_indirect_dma semaphore(%arg7 : memref<!tpu.dma_semaphore, #tpu.memory_space<semaphore_mem>>) src(%dma_wait3A_32 : memref<4097x4096xi32, #tpu.memory_space<hbm>>) dst(%arg6 : memref<16x4096xi32, #tpu.memory_space<vmem>>)
    "tpu.region"() ({
      %run_scoped3A = tpu.sem_alloc : memref<!tpu.dma_semaphore, #tpu.memory_space<semaphore_mem>>
      %dma_start3A_65 = arith.constant 0 : i32
      %dma_start3A_66 = tpu.memref_slice %arg4[%add3A_26, %dma_start3A_65] : memref<4096x4096xi32, #tpu.memory_space<hbm>> -> memref<16x4096xi32, #tpu.memory_space<hbm>>
      %dma_start3A_67 = arith.constant 0 : i32
      %dma_start3A_68 = tpu.memref_slice %arg4[%add3A_26, %dma_start3A_67] : memref<4096x4096xi32, #tpu.memory_space<hbm>> -> memref<16x4096xi32, #tpu.memory_space<hbm>>
      tpu.enqueue_dma source(%arg6 : memref<16x4096xi32, #tpu.memory_space<vmem>>) target(%dma_start3A_68 : memref<16x4096xi32, #tpu.memory_space<hbm>>) target_semaphore(%run_scoped3A : memref<!tpu.dma_semaphore, #tpu.memory_space<semaphore_mem>>)
      %dma_wait3A_69 = arith.constant 0 : i32
      %dma_wait3A_70 = tpu.memref_slice %arg4[%add3A_26, %dma_wait3A_69] : memref<4096x4096xi32, #tpu.memory_space<hbm>> -> memref<16x4096xi32, #tpu.memory_space<hbm>>
      %dma_wait3A_71 = arith.constant 0 : i32
      %dma_wait3A_72 = tpu.memref_slice %arg4[%add3A_26, %dma_wait3A_71] : memref<4096x4096xi32, #tpu.memory_space<hbm>> -> memref<16x4096xi32, #tpu.memory_space<hbm>>
      tpu.wait_dma2 semaphore(%run_scoped3A : memref<!tpu.dma_semaphore, #tpu.memory_space<semaphore_mem>>) src(%arg6 : memref<16x4096xi32, #tpu.memory_space<vmem>>) dst(%dma_wait3A_72 : memref<16x4096xi32, #tpu.memory_space<hbm>>)
      tpu.yield
    }) : () -> ()
    %add3A_33 = arith.constant 64 : i32
    %add3A_34 = arith.addi %mul3A_2, %add3A_33 : i32
    "tpu.region"() ({
      %run_scoped3A = tpu.sem_alloc : memref<!tpu.dma_semaphore, #tpu.memory_space<semaphore_mem>>
      %dma_start3A_65 = tpu.memref_slice %arg2[%add3A_34] : memref<4096xi32, #tpu.memory_space<hbm>> -> memref<16xi32, #tpu.memory_space<hbm>>
      %dma_start3A_66 = tpu.memref_slice %arg2[%add3A_34] : memref<4096xi32, #tpu.memory_space<hbm>> -> memref<16xi32, #tpu.memory_space<hbm>>
      tpu.enqueue_dma source(%dma_start3A_66 : memref<16xi32, #tpu.memory_space<hbm>>) target(%arg5 : memref<16xi32, #tpu.memory_space<vmem>>) target_semaphore(%run_scoped3A : memref<!tpu.dma_semaphore, #tpu.memory_space<semaphore_mem>>)
      %dma_wait3A_67 = tpu.memref_slice %arg2[%add3A_34] : memref<4096xi32, #tpu.memory_space<hbm>> -> memref<16xi32, #tpu.memory_space<hbm>>
      %dma_wait3A_68 = tpu.memref_slice %arg2[%add3A_34] : memref<4096xi32, #tpu.memory_space<hbm>> -> memref<16xi32, #tpu.memory_space<hbm>>
      tpu.wait_dma2 semaphore(%run_scoped3A : memref<!tpu.dma_semaphore, #tpu.memory_space<semaphore_mem>>) src(%dma_wait3A_68 : memref<16xi32, #tpu.memory_space<hbm>>) dst(%arg5 : memref<16xi32, #tpu.memory_space<vmem>>)
      tpu.yield
    }) : () -> ()
    %dma_start3A_35 = arith.constant 0 : i32
    %dma_start3A_36 = arith.constant 0 : i32
    %dma_start3A_37 = tpu.memref_slice %arg3[%dma_start3A_35, %dma_start3A_36] : memref<4097x4096xi32, #tpu.memory_space<hbm>> -> memref<4097x4096xi32, #tpu.memory_space<hbm>>
    tpu.enqueue_indirect_dma source(%dma_start3A_37 : memref<4097x4096xi32, #tpu.memory_space<hbm>>) target(%arg6 : memref<16x4096xi32, #tpu.memory_space<vmem>>) offsets(%arg5 : memref<16xi32, #tpu.memory_space<vmem>>) semaphore(%arg7 : memref<!tpu.dma_semaphore, #tpu.memory_space<semaphore_mem>>)
    %dma_wait3A_38 = arith.constant 0 : i32
    %dma_wait3A_39 = arith.constant 0 : i32
    %dma_wait3A_40 = tpu.memref_slice %arg3[%dma_wait3A_38, %dma_wait3A_39] : memref<4097x4096xi32, #tpu.memory_space<hbm>> -> memref<4097x4096xi32, #tpu.memory_space<hbm>>
    tpu.wait_indirect_dma semaphore(%arg7 : memref<!tpu.dma_semaphore, #tpu.memory_space<semaphore_mem>>) src(%dma_wait3A_40 : memref<4097x4096xi32, #tpu.memory_space<hbm>>) dst(%arg6 : memref<16x4096xi32, #tpu.memory_space<vmem>>)
    "tpu.region"() ({
      %run_scoped3A = tpu.sem_alloc : memref<!tpu.dma_semaphore, #tpu.memory_space<semaphore_mem>>
      %dma_start3A_65 = arith.constant 0 : i32
      %dma_start3A_66 = tpu.memref_slice %arg4[%add3A_34, %dma_start3A_65] : memref<4096x4096xi32, #tpu.memory_space<hbm>> -> memref<16x4096xi32, #tpu.memory_space<hbm>>
      %dma_start3A_67 = arith.constant 0 : i32
      %dma_start3A_68 = tpu.memref_slice %arg4[%add3A_34, %dma_start3A_67] : memref<4096x4096xi32, #tpu.memory_space<hbm>> -> memref<16x4096xi32, #tpu.memory_space<hbm>>
      tpu.enqueue_dma source(%arg6 : memref<16x4096xi32, #tpu.memory_space<vmem>>) target(%dma_start3A_68 : memref<16x4096xi32, #tpu.memory_space<hbm>>) target_semaphore(%run_scoped3A : memref<!tpu.dma_semaphore, #tpu.memory_space<semaphore_mem>>)
      %dma_wait3A_69 = arith.constant 0 : i32
      %dma_wait3A_70 = tpu.memref_slice %arg4[%add3A_34, %dma_wait3A_69] : memref<4096x4096xi32, #tpu.memory_space<hbm>> -> memref<16x4096xi32, #tpu.memory_space<hbm>>
      %dma_wait3A_71 = arith.constant 0 : i32
      %dma_wait3A_72 = tpu.memref_slice %arg4[%add3A_34, %dma_wait3A_71] : memref<4096x4096xi32, #tpu.memory_space<hbm>> -> memref<16x4096xi32, #tpu.memory_space<hbm>>
      tpu.wait_dma2 semaphore(%run_scoped3A : memref<!tpu.dma_semaphore, #tpu.memory_space<semaphore_mem>>) src(%arg6 : memref<16x4096xi32, #tpu.memory_space<vmem>>) dst(%dma_wait3A_72 : memref<16x4096xi32, #tpu.memory_space<hbm>>)
      tpu.yield
    }) : () -> ()
    %add3A_41 = arith.constant 80 : i32
    %add3A_42 = arith.addi %mul3A_2, %add3A_41 : i32
    "tpu.region"() ({
      %run_scoped3A = tpu.sem_alloc : memref<!tpu.dma_semaphore, #tpu.memory_space<semaphore_mem>>
      %dma_start3A_65 = tpu.memref_slice %arg2[%add3A_42] : memref<4096xi32, #tpu.memory_space<hbm>> -> memref<16xi32, #tpu.memory_space<hbm>>
      %dma_start3A_66 = tpu.memref_slice %arg2[%add3A_42] : memref<4096xi32, #tpu.memory_space<hbm>> -> memref<16xi32, #tpu.memory_space<hbm>>
      tpu.enqueue_dma source(%dma_start3A_66 : memref<16xi32, #tpu.memory_space<hbm>>) target(%arg5 : memref<16xi32, #tpu.memory_space<vmem>>) target_semaphore(%run_scoped3A : memref<!tpu.dma_semaphore, #tpu.memory_space<semaphore_mem>>)
      %dma_wait3A_67 = tpu.memref_slice %arg2[%add3A_42] : memref<4096xi32, #tpu.memory_space<hbm>> -> memref<16xi32, #tpu.memory_space<hbm>>
      %dma_wait3A_68 = tpu.memref_slice %arg2[%add3A_42] : memref<4096xi32, #tpu.memory_space<hbm>> -> memref<16xi32, #tpu.memory_space<hbm>>
      tpu.wait_dma2 semaphore(%run_scoped3A : memref<!tpu.dma_semaphore, #tpu.memory_space<semaphore_mem>>) src(%dma_wait3A_68 : memref<16xi32, #tpu.memory_space<hbm>>) dst(%arg5 : memref<16xi32, #tpu.memory_space<vmem>>)
      tpu.yield
    }) : () -> ()
    %dma_start3A_43 = arith.constant 0 : i32
    %dma_start3A_44 = arith.constant 0 : i32
    %dma_start3A_45 = tpu.memref_slice %arg3[%dma_start3A_43, %dma_start3A_44] : memref<4097x4096xi32, #tpu.memory_space<hbm>> -> memref<4097x4096xi32, #tpu.memory_space<hbm>>
    tpu.enqueue_indirect_dma source(%dma_start3A_45 : memref<4097x4096xi32, #tpu.memory_space<hbm>>) target(%arg6 : memref<16x4096xi32, #tpu.memory_space<vmem>>) offsets(%arg5 : memref<16xi32, #tpu.memory_space<vmem>>) semaphore(%arg7 : memref<!tpu.dma_semaphore, #tpu.memory_space<semaphore_mem>>)
    %dma_wait3A_46 = arith.constant 0 : i32
    %dma_wait3A_47 = arith.constant 0 : i32
    %dma_wait3A_48 = tpu.memref_slice %arg3[%dma_wait3A_46, %dma_wait3A_47] : memref<4097x4096xi32, #tpu.memory_space<hbm>> -> memref<4097x4096xi32, #tpu.memory_space<hbm>>
    tpu.wait_indirect_dma semaphore(%arg7 : memref<!tpu.dma_semaphore, #tpu.memory_space<semaphore_mem>>) src(%dma_wait3A_48 : memref<4097x4096xi32, #tpu.memory_space<hbm>>) dst(%arg6 : memref<16x4096xi32, #tpu.memory_space<vmem>>)
    "tpu.region"() ({
      %run_scoped3A = tpu.sem_alloc : memref<!tpu.dma_semaphore, #tpu.memory_space<semaphore_mem>>
      %dma_start3A_65 = arith.constant 0 : i32
      %dma_start3A_66 = tpu.memref_slice %arg4[%add3A_42, %dma_start3A_65] : memref<4096x4096xi32, #tpu.memory_space<hbm>> -> memref<16x4096xi32, #tpu.memory_space<hbm>>
      %dma_start3A_67 = arith.constant 0 : i32
      %dma_start3A_68 = tpu.memref_slice %arg4[%add3A_42, %dma_start3A_67] : memref<4096x4096xi32, #tpu.memory_space<hbm>> -> memref<16x4096xi32, #tpu.memory_space<hbm>>
      tpu.enqueue_dma source(%arg6 : memref<16x4096xi32, #tpu.memory_space<vmem>>) target(%dma_start3A_68 : memref<16x4096xi32, #tpu.memory_space<hbm>>) target_semaphore(%run_scoped3A : memref<!tpu.dma_semaphore, #tpu.memory_space<semaphore_mem>>)
      %dma_wait3A_69 = arith.constant 0 : i32
      %dma_wait3A_70 = tpu.memref_slice %arg4[%add3A_42, %dma_wait3A_69] : memref<4096x4096xi32, #tpu.memory_space<hbm>> -> memref<16x4096xi32, #tpu.memory_space<hbm>>
      %dma_wait3A_71 = arith.constant 0 : i32
      %dma_wait3A_72 = tpu.memref_slice %arg4[%add3A_42, %dma_wait3A_71] : memref<4096x4096xi32, #tpu.memory_space<hbm>> -> memref<16x4096xi32, #tpu.memory_space<hbm>>
      tpu.wait_dma2 semaphore(%run_scoped3A : memref<!tpu.dma_semaphore, #tpu.memory_space<semaphore_mem>>) src(%arg6 : memref<16x4096xi32, #tpu.memory_space<vmem>>) dst(%dma_wait3A_72 : memref<16x4096xi32, #tpu.memory_space<hbm>>)
      tpu.yield
    }) : () -> ()
    %add3A_49 = arith.constant 96 : i32
    %add3A_50 = arith.addi %mul3A_2, %add3A_49 : i32
    "tpu.region"() ({
      %run_scoped3A = tpu.sem_alloc : memref<!tpu.dma_semaphore, #tpu.memory_space<semaphore_mem>>
      %dma_start3A_65 = tpu.memref_slice %arg2[%add3A_50] : memref<4096xi32, #tpu.memory_space<hbm>> -> memref<16xi32, #tpu.memory_space<hbm>>
      %dma_start3A_66 = tpu.memref_slice %arg2[%add3A_50] : memref<4096xi32, #tpu.memory_space<hbm>> -> memref<16xi32, #tpu.memory_space<hbm>>
      tpu.enqueue_dma source(%dma_start3A_66 : memref<16xi32, #tpu.memory_space<hbm>>) target(%arg5 : memref<16xi32, #tpu.memory_space<vmem>>) target_semaphore(%run_scoped3A : memref<!tpu.dma_semaphore, #tpu.memory_space<semaphore_mem>>)
      %dma_wait3A_67 = tpu.memref_slice %arg2[%add3A_50] : memref<4096xi32, #tpu.memory_space<hbm>> -> memref<16xi32, #tpu.memory_space<hbm>>
      %dma_wait3A_68 = tpu.memref_slice %arg2[%add3A_50] : memref<4096xi32, #tpu.memory_space<hbm>> -> memref<16xi32, #tpu.memory_space<hbm>>
      tpu.wait_dma2 semaphore(%run_scoped3A : memref<!tpu.dma_semaphore, #tpu.memory_space<semaphore_mem>>) src(%dma_wait3A_68 : memref<16xi32, #tpu.memory_space<hbm>>) dst(%arg5 : memref<16xi32, #tpu.memory_space<vmem>>)
      tpu.yield
    }) : () -> ()
    %dma_start3A_51 = arith.constant 0 : i32
    %dma_start3A_52 = arith.constant 0 : i32
    %dma_start3A_53 = tpu.memref_slice %arg3[%dma_start3A_51, %dma_start3A_52] : memref<4097x4096xi32, #tpu.memory_space<hbm>> -> memref<4097x4096xi32, #tpu.memory_space<hbm>>
    tpu.enqueue_indirect_dma source(%dma_start3A_53 : memref<4097x4096xi32, #tpu.memory_space<hbm>>) target(%arg6 : memref<16x4096xi32, #tpu.memory_space<vmem>>) offsets(%arg5 : memref<16xi32, #tpu.memory_space<vmem>>) semaphore(%arg7 : memref<!tpu.dma_semaphore, #tpu.memory_space<semaphore_mem>>)
    %dma_wait3A_54 = arith.constant 0 : i32
    %dma_wait3A_55 = arith.constant 0 : i32
    %dma_wait3A_56 = tpu.memref_slice %arg3[%dma_wait3A_54, %dma_wait3A_55] : memref<4097x4096xi32, #tpu.memory_space<hbm>> -> memref<4097x4096xi32, #tpu.memory_space<hbm>>
    tpu.wait_indirect_dma semaphore(%arg7 : memref<!tpu.dma_semaphore, #tpu.memory_space<semaphore_mem>>) src(%dma_wait3A_56 : memref<4097x4096xi32, #tpu.memory_space<hbm>>) dst(%arg6 : memref<16x4096xi32, #tpu.memory_space<vmem>>)
    "tpu.region"() ({
      %run_scoped3A = tpu.sem_alloc : memref<!tpu.dma_semaphore, #tpu.memory_space<semaphore_mem>>
      %dma_start3A_65 = arith.constant 0 : i32
      %dma_start3A_66 = tpu.memref_slice %arg4[%add3A_50, %dma_start3A_65] : memref<4096x4096xi32, #tpu.memory_space<hbm>> -> memref<16x4096xi32, #tpu.memory_space<hbm>>
      %dma_start3A_67 = arith.constant 0 : i32
      %dma_start3A_68 = tpu.memref_slice %arg4[%add3A_50, %dma_start3A_67] : memref<4096x4096xi32, #tpu.memory_space<hbm>> -> memref<16x4096xi32, #tpu.memory_space<hbm>>
      tpu.enqueue_dma source(%arg6 : memref<16x4096xi32, #tpu.memory_space<vmem>>) target(%dma_start3A_68 : memref<16x4096xi32, #tpu.memory_space<hbm>>) target_semaphore(%run_scoped3A : memref<!tpu.dma_semaphore, #tpu.memory_space<semaphore_mem>>)
      %dma_wait3A_69 = arith.constant 0 : i32
      %dma_wait3A_70 = tpu.memref_slice %arg4[%add3A_50, %dma_wait3A_69] : memref<4096x4096xi32, #tpu.memory_space<hbm>> -> memref<16x4096xi32, #tpu.memory_space<hbm>>
      %dma_wait3A_71 = arith.constant 0 : i32
      %dma_wait3A_72 = tpu.memref_slice %arg4[%add3A_50, %dma_wait3A_71] : memref<4096x4096xi32, #tpu.memory_space<hbm>> -> memref<16x4096xi32, #tpu.memory_space<hbm>>
      tpu.wait_dma2 semaphore(%run_scoped3A : memref<!tpu.dma_semaphore, #tpu.memory_space<semaphore_mem>>) src(%arg6 : memref<16x4096xi32, #tpu.memory_space<vmem>>) dst(%dma_wait3A_72 : memref<16x4096xi32, #tpu.memory_space<hbm>>)
      tpu.yield
    }) : () -> ()
    %add3A_57 = arith.constant 112 : i32
    %add3A_58 = arith.addi %mul3A_2, %add3A_57 : i32
    "tpu.region"() ({
      %run_scoped3A = tpu.sem_alloc : memref<!tpu.dma_semaphore, #tpu.memory_space<semaphore_mem>>
      %dma_start3A_65 = tpu.memref_slice %arg2[%add3A_58] : memref<4096xi32, #tpu.memory_space<hbm>> -> memref<16xi32, #tpu.memory_space<hbm>>
      %dma_start3A_66 = tpu.memref_slice %arg2[%add3A_58] : memref<4096xi32, #tpu.memory_space<hbm>> -> memref<16xi32, #tpu.memory_space<hbm>>
      tpu.enqueue_dma source(%dma_start3A_66 : memref<16xi32, #tpu.memory_space<hbm>>) target(%arg5 : memref<16xi32, #tpu.memory_space<vmem>>) target_semaphore(%run_scoped3A : memref<!tpu.dma_semaphore, #tpu.memory_space<semaphore_mem>>)
      %dma_wait3A_67 = tpu.memref_slice %arg2[%add3A_58] : memref<4096xi32, #tpu.memory_space<hbm>> -> memref<16xi32, #tpu.memory_space<hbm>>
      %dma_wait3A_68 = tpu.memref_slice %arg2[%add3A_58] : memref<4096xi32, #tpu.memory_space<hbm>> -> memref<16xi32, #tpu.memory_space<hbm>>
      tpu.wait_dma2 semaphore(%run_scoped3A : memref<!tpu.dma_semaphore, #tpu.memory_space<semaphore_mem>>) src(%dma_wait3A_68 : memref<16xi32, #tpu.memory_space<hbm>>) dst(%arg5 : memref<16xi32, #tpu.memory_space<vmem>>)
      tpu.yield
    }) : () -> ()
    %dma_start3A_59 = arith.constant 0 : i32
    %dma_start3A_60 = arith.constant 0 : i32
    %dma_start3A_61 = tpu.memref_slice %arg3[%dma_start3A_59, %dma_start3A_60] : memref<4097x4096xi32, #tpu.memory_space<hbm>> -> memref<4097x4096xi32, #tpu.memory_space<hbm>>
    tpu.enqueue_indirect_dma source(%dma_start3A_61 : memref<4097x4096xi32, #tpu.memory_space<hbm>>) target(%arg6 : memref<16x4096xi32, #tpu.memory_space<vmem>>) offsets(%arg5 : memref<16xi32, #tpu.memory_space<vmem>>) semaphore(%arg7 : memref<!tpu.dma_semaphore, #tpu.memory_space<semaphore_mem>>)
    %dma_wait3A_62 = arith.constant 0 : i32
    %dma_wait3A_63 = arith.constant 0 : i32
    %dma_wait3A_64 = tpu.memref_slice %arg3[%dma_wait3A_62, %dma_wait3A_63] : memref<4097x4096xi32, #tpu.memory_space<hbm>> -> memref<4097x4096xi32, #tpu.memory_space<hbm>>
    tpu.wait_indirect_dma semaphore(%arg7 : memref<!tpu.dma_semaphore, #tpu.memory_space<semaphore_mem>>) src(%dma_wait3A_64 : memref<4097x4096xi32, #tpu.memory_space<hbm>>) dst(%arg6 : memref<16x4096xi32, #tpu.memory_space<vmem>>)
    "tpu.region"() ({
      %run_scoped3A = tpu.sem_alloc : memref<!tpu.dma_semaphore, #tpu.memory_space<semaphore_mem>>
      %dma_start3A_65 = arith.constant 0 : i32
      %dma_start3A_66 = tpu.memref_slice %arg4[%add3A_58, %dma_start3A_65] : memref<4096x4096xi32, #tpu.memory_space<hbm>> -> memref<16x4096xi32, #tpu.memory_space<hbm>>
      %dma_start3A_67 = arith.constant 0 : i32
      %dma_start3A_68 = tpu.memref_slice %arg4[%add3A_58, %dma_start3A_67] : memref<4096x4096xi32, #tpu.memory_space<hbm>> -> memref<16x4096xi32, #tpu.memory_space<hbm>>
      tpu.enqueue_dma source(%arg6 : memref<16x4096xi32, #tpu.memory_space<vmem>>) target(%dma_start3A_68 : memref<16x4096xi32, #tpu.memory_space<hbm>>) target_semaphore(%run_scoped3A : memref<!tpu.dma_semaphore, #tpu.memory_space<semaphore_mem>>)
      %dma_wait3A_69 = arith.constant 0 : i32
      %dma_wait3A_70 = tpu.memref_slice %arg4[%add3A_58, %dma_wait3A_69] : memref<4096x4096xi32, #tpu.memory_space<hbm>> -> memref<16x4096xi32, #tpu.memory_space<hbm>>
      %dma_wait3A_71 = arith.constant 0 : i32
      %dma_wait3A_72 = tpu.memref_slice %arg4[%add3A_58, %dma_wait3A_71] : memref<4096x4096xi32, #tpu.memory_space<hbm>> -> memref<16x4096xi32, #tpu.memory_space<hbm>>
      tpu.wait_dma2 semaphore(%run_scoped3A : memref<!tpu.dma_semaphore, #tpu.memory_space<semaphore_mem>>) src(%arg6 : memref<16x4096xi32, #tpu.memory_space<vmem>>) dst(%dma_wait3A_72 : memref<16x4096xi32, #tpu.memory_space<hbm>>)
      tpu.yield
    }) : () -> ()
    return
  }
}

</mosaic_0001>

<sc_bundles>
// kernel: kernel.3.cloned.1.call-start
scs
__scs_entry_jumppad:
0x0: {  	(pc) =	sbr.rel $0x88, $3  }
0x1: {  	(tag) =	ssettag $0x0;
	lr =	simm.s32 $0x1  }
0x2: {  	[smem:$0x3FA0] =	sst lr;
	_ =	strace $0xD0000000  }
0x3: {  	_ = 	snop  }
0x4: {  	_ = 	snop  }
0x5: {  	_ = 	snop  }
0x6: {  	_ = 	snop  }
0x7: {  	_ = 	snop  }
__scs_overlays_trampoline_lowered:
0x8: {  	[smem:$0x3FAF] =	sst s0  }
0x9: {  	[smem:$0x3FB0] =	sst s1  }
0xa: {  	[smem:$0x3FB1] =	sst s2  }
0xb: {  	[smem:$0x3FB2] =	sst s3  }
0xc: {  	[smem:$0x3FB3] =	sst s4  }
0xd: {  	[smem:$0x3FB4] =	sst s5  }
0xe: {  	[smem:$0x3FB5] =	sst s6  }
0xf: {  	[smem:$0x3FB6] =	sst s7  }
0x10: {  	[smem:$0x3FB7] =	sst s8  }
0x11: {  	[smem:$0x3FB8] =	sst s9;
	s0 =	simm.s32 @!p0 $0x0  }
0x12: {  	s1 =	sld [smem:$0x3F9E];
	s0 =	simm.s32 @p0 $0x1  }
0x13: {  	[smem:$0x3FB9] =	sst s0;
	s0 =	simm.s32 @!p1 $0x0  }
0x14: {  	s2 =	sld [smem:$0x3F9D];
	s0 =	simm.s32 @p1 $0x1  }
0x15: {  	[smem:$0x3FBA] =	sst s0;
	s0 =	simm.s32 @!p2 $0x0  }
0x16: {  	s3 =	sld [smem:$0x3FDB];
	s0 =	simm.s32 @p2 $0x1  }
0x17: {  	s4 =	simm.s32 $0x1BF5;
	[smem:$0x3FBC] =	sst s0  }
0x18: {  	s0 =	sld [smem:$0x3F9F];
	_ =	swait.ge [sflag:s4], $0x0  }
0x19: {  	s7 =	sld [smem:$0x3FA0]  }
0x1a: {  	s8 =	sadd.s32 $0xFFFFE003, lr  }
0x1b: {  	s9 =	sadd.s32 $0xFFFFFEF7, lr;
	s5 =	simm.s32 $0xFFFFFFFF;
	p2 =	slt.u32 s8, $0xFFFFF086  }
0x1c: {  	p1 =	slt.u32 s9, $0xF7A;
	s5 =	simm.s32 @!p2 $0x0  }
0x1d: {  	s5 =	simm.s32 @p1 $0x1;
	p0 =	seq.s32 s7, s2  }
0x1e: {  	s7 =	smul.u32 @!p0 $0xF7A, s2;
	p2 =	seq.s32 @!p0 s5, $0x0  }
0x1f: {  	s9 =	smul.u32 $0xF7A, s1;
	s8 =	simm.s32 @!p0 $0x1BF5;
	p2 =	por !p2, p0  }
0x20: {  	[sflag:s8] =	ssyncset.s32 @!p0 $0xFFFFF086;
	s6 =	sadd.s32 @!p0 s3, s7;
	s7 =	simm.s32 @!p0 $0x108  }
0x21: {  	s3 =	sadd.s32 s3, s9;
	s6 =	sadd.s32 @!p0 $0x88, s6;
	s7 =	simm.s32 @p2 $0x1082  }
0x22: {  	[simem:s7], [sflag:s8] =	dma.local @!p0 [hbm:s6], $0xF7A  }
0x23: {  	s9 =	sor.u32 $0xD0000000, s2;
	s6 =	simm.s32 $0x108;
	_ =	swait.ge @!p0 [sflag:s8], $0x0  }
0x24: {  	s3 =	sadd.s32 $0x88, s3;
	s6 =	simm.s32 @!p1 $0x1082;
	[sflag:s4] =	ssyncset.s32 $0xFFFFF086  }
0x25: {  	[simem:s6], [sflag:s4] =	dma.local [hbm:s3], $0xF7A  }
0x26: {  	[smem:$0x3FA0] =	sst s1;
	(tag) =	ssettag s2;
	_ =	strace s9  }
0x27: {  	s1 =	sld [smem:$0x3FB0]  }
0x28: {  	s2 =	sld [smem:$0x3FB1]  }
0x29: {  	s4 =	sld [smem:$0x3FB3]  }
0x2a: {  	p0 =	seq.s32 s5, $0x0;
	s5 =	sld [smem:$0x3FB4]  }
0x2b: {  	s6 =	sld [smem:$0x3FB5]  }
0x2c: {  	s7 =	sld [smem:$0x3FB6]  }
0x2d: {  	s3 =	simm.s32 $0x108;
	s8 =	sld [smem:$0x3FB7]  }
0x2e: {  	s3 =	simm.s32 @!p0 $0x1082;
	s9 =	sld [smem:$0x3FB8]  }
0x2f: {  	lr =	sadd.s32 s0, s3;
	s0 =	sld [smem:$0x3FAF]  }
0x30: {  	s3 =	sld [smem:$0x3FB2]  }
0x31: {  	[smem:$0x3FBB] =	sst s10  }
0x32: {  	s10 =	sld [smem:$0x3FB9];
	_ =	sdelay $0x3  }
0x33: {  	p0 =	seq.s32 s10, $0x1;
	s10 =	sld [smem:$0x3FBB];
	_ =	sdelay $0x3  }
0x34: {  	[smem:$0x3FBB] =	sst s10  }
0x35: {  	s10 =	sld [smem:$0x3FBA];
	_ =	sdelay $0x3  }
0x36: {  	p1 =	seq.s32 s10, $0x1;
	s10 =	sld [smem:$0x3FBB];
	_ =	sdelay $0x3  }
0x37: {  	[smem:$0x3FBB] =	sst s10  }
0x38: {  	s10 =	sld [smem:$0x3FBC]  }
0x39: {  	_ = 	snop;
	(pc) =	sbr.ind lr, $3  }
0x3a: {  	_ = 	snop  }
0x3b: {  	_ = 	snop  }
0x3c: {  	p2 =	seq.s32 s10, $0x1;
	s10 =	sld [smem:$0x3FBB]  }
0x3d: {  	_ =	shalt  }
0x3e: {  	_ =	shalt  }
0x3f: {  	_ =	shalt  }
0x40: {  	_ =	shalt  }
0x41: {  	_ =	shalt  }
0x42: {  	_ =	shalt  }
0x43: {  	_ =	shalt  }
0x44: {  	_ =	shalt  }
0x45: {  	_ =	shalt  }
0x46: {  	_ =	shalt  }
0x47: {  	_ =	shalt  }
0x48: {  	_ =	shalt  }
0x49: {  	_ =	shalt  }
0x4a: {  	_ =	shalt  }
0x4b: {  	_ =	shalt  }
0x4c: {  	_ =	shalt  }
0x4d: {  	_ =	shalt  }
0x4e: {  	_ =	shalt  }
0x4f: {  	_ =	shalt  }
0x50: {  	_ =	shalt  }
0x51: {  	_ =	shalt  }
0x52: {  	_ =	shalt  }
0x53: {  	_ =	shalt  }
0x54: {  	_ =	shalt  }
0x55: {  	_ =	shalt  }
0x56: {  	_ =	shalt  }
0x57: {  	_ =	shalt  }
0x58: {  	_ =	shalt  }
0x59: {  	_ =	shalt  }
0x5a: {  	_ =	shalt  }
0x5b: {  	_ =	shalt  }
0x5c: {  	_ =	shalt  }
0x5d: {  	_ =	shalt  }
0x5e: {  	_ =	shalt  }
0x5f: {  	_ =	shalt  }
0x60: {  	_ =	shalt  }
0x61: {  	_ =	shalt  }
0x62: {  	_ =	shalt  }
0x63: {  	_ =	shalt  }
0x64: {  	_ =	shalt  }
0x65: {  	_ =	shalt  }
0x66: {  	_ =	shalt  }
0x67: {  	_ =	shalt  }
0x68: {  	_ =	shalt  }
0x69: {  	_ =	shalt  }
0x6a: {  	_ =	shalt  }
0x6b: {  	_ =	shalt  }
0x6c: {  	_ =	shalt  }
0x6d: {  	_ =	shalt  }
0x6e: {  	_ =	shalt  }
0x6f: {  	_ =	shalt  }
0x70: {  	_ =	shalt  }
0x71: {  	_ =	shalt  }
0x72: {  	_ =	shalt  }
0x73: {  	_ =	shalt  }
0x74: {  	_ =	shalt  }
0x75: {  	_ =	shalt  }
0x76: {  	_ =	shalt  }
0x77: {  	_ =	shalt  }
0x78: {  	_ =	shalt  }
0x79: {  	_ =	shalt  }
0x7a: {  	_ =	shalt  }
0x7b: {  	_ =	shalt  }
0x7c: {  	_ =	shalt  }
0x7d: {  	_ =	shalt  }
0x7e: {  	_ =	shalt  }
0x7f: {  	_ =	shalt  }
0x80: {  	_ =	shalt  }
0x81: {  	_ =	shalt  }
0x82: {  	_ =	shalt  }
0x83: {  	_ =	shalt  }
0x84: {  	_ =	shalt  }
0x85: {  	_ =	shalt  }
0x86: {  	_ =	shalt  }
0x87: {  	_ =	shalt  }
.Lfunc_end0:
.L_simem_size_0:
called_computation_lowered:
.L_overlay_start_0:
0x88: {  	s2 =	sld [smem:$0x3FD9]  }
0x89: {  	s3 =	sld [smem:$0x3FFE];
	_ =	sdelay $0x1  }
0x8a: {  	s1 =	srdreg.scid  }
0x8b: {  	s0 =	sand.u32 $0x1, s1  }
0x8c: {  	s17 =	sshll.u32 s0, $0xA;
	s2 =	sadd.s32 s3, s2  }
0x8d: {  	s2 =	sadd.s32 s2, s17  }
0x8e: {  	[smem:$0x3FC7] =	sst s2  }
0x8f: {  	_ = 	snop  }
0x90: {  	s2 =	sld [smem:$0x3FD0];
	(tm) =	ssettm $0x1  }
0x91: {  	s18 =	sld [smem:$0x3FFB];
	_ =	sdelay $0x3  }
0x92: {  	_ =	strace s18  }
0x93: {  	s3 =	sld [smem:$0x3FFC];
	_ =	sdelay $0x3  }
0x94: {  	_ =	strace s3  }
0x95: {  	s3 =	sld [smem:$0x3FFD];
	_ =	sdelay $0x3  }
0x96: {  	_ =	strace s3  }
0x97: {  	_ =	strace $0x8FFFFFFF  }
0x98: {  	s19 =	sld [smem:$0x3FDB];
	_ =	sdelay $0x1  }
0x99: {  	s4 =	simm.s32 $_scs_section_size  }
0x9a: {  	s5 =	simm.s32 $_size__tile_overlayer_lowered;
	s6 =	simm.s32 $_tile_overlayer_lowered  }
0x9b: {  	s22 =	simm.s32 $0x1BFF;
	s21 =	sshll.u32 s6, $0x1;
	s3 =	sadd.s32 s4, s19  }
0x9c: {  	s7 =	simm.s32 $0x0;
	s20 =	sshll.u32 s5, $0x1;
	s5 =	sadd.s32 s21, s3  }
0x9d: {  	[timem:s7], [sflag:s22] =	dma.local [hbm:s5], s20  }
0x9e: {  	_ =	swait.ge [sflag:s22], s20  }
0x9f: {  	s4 =	ssub.s32 $0x0, s20;
	[sflag:s22] =	ssyncset.done $0x0  }
0xa0: {  	[sflag:s22] =	ssyncadd.s32 s4;
	_ =	sdelay $0x1  }
0xa1: {  	s23 =	simm.s32 $0x1B8B  }
0xa2: {  	_ =	swait.ge [sflag:s23], $0x1  }
0xa3: {  	[sflag:s23] =	ssyncset.done $0x0  }
0xa4: {  	s25 =	simm.s32 $0x1B8E;
	s24 =	sld [smem:$0x3FFE];
	[sflag:s23] =	ssyncadd.s32 $0xFFFFFFFF  }
0xa5: {  	s26 =	simm.s32 $execute0_lowered;
	[smem:$0x3FD2] =	sst s25  }
0xa6: {  	s5 =	sshll.u32 s26, $0x1;
	_ =	strace $0x80000046;
	[dreg:$0x1] =	wrdreg $0xFFFFFFFF  }
0xa7: {  	s28 =	simm.s32 $_size_execute0_lowered;
	s3 =	sadd.s32 s3, s5;
	[dreg:$0x0] =	wrdreg $0x0  }
0xa8: {  	s5 =	sshll.u32 s28, $0x1;
	[dreg:$0x2] =	wrdreg s3  }
0xa9: {  	[dreg:$0x3] =	wrdreg s5  }
0xaa: {  	[dreg:$0x4] =	wrdreg $0xC0  }
0xab: {  	_ =	task [dreg:s7], $0x5FFFF  }
0xac: {  	[dreg:$0x1] =	wrdreg $0xFFFFFFFF  }
0xad: {  	[dreg:$0x0] =	wrdreg $0x60  }
0xae: {  	[dreg:$0x2] =	wrdreg s24  }
0xaf: {  	[dreg:$0x3] =	wrdreg s2  }
0xb0: {  	[dreg:$0x4] =	wrdreg $0x9  }
0xb1: {  	_ =	task.clear_ibuf [dreg:s7], $0x5FFFF;
	_ =	strace $0x90000046  }
0xb2: {  	s29 =	simm.s32 $0x9;
	_ =	strace $0x80000048  }
0xb3: {  	_ =	swait.ge [sflag:s29], $0x1  }
0xb4: {  	[sflag:s29] =	ssyncadd.s32 $0xFFFFFFFF  }
0xb5: {  	_ =	strace $0x90000048  }
0xb6: {  	_ =	sfence  }
0xb7: {  	s30 =	sld [smem:$0x0];
	_ =	sdelay $0x2  }
0xb8: {  	s31 =	sshll.u32 s1, $0xD;
	s1 =	sshrl.u32 s1, $0x2  }
0xb9: {  	s3 =	sand.u32 $0x4000, s31;
	s1 =	sadd.s32 s1, s30  }
0xba: {  	s0 =	sor.u32 s3, s0;
	s1 =	sshll.u32 s1, $0x11  }
0xbb: {  	s0 =	sor.u32 s1, s0  }
0xbc: {  	s0 =	sadd.s32 $0x8F2B, s0  }
0xbd: {  	[sflag:s0] =	ssyncadd.remote.s32 $0x1  }
0xbe: {  	_ =	sfence.sel $0xFFFF  }
0xbf: {  	[dreg:$0x0] =	wrdreg $0xFFFFFFFF;
	(pc) =	sbr.abs _section_cstart, $3  }
0xc0: {  	[dreg:$0x1] =	wrdreg $0xFFFFFFFF  }
0xc1: {  	_ =	task.clear_ibuf [dreg:s7], $0x2FFFF;
	_ =	strace $0x9FFFFFFF  }
0xc2: {  	(tm) =	ssettm $0x7FFFFFFF  }
0xc3: {  	_ =	shalt  }
tec
execute0_lowered:
.L_overlay_start_1:
0x0: {  	(tag) =	ssettag $0x1  }
0x1: {  	s1 =	rddreg [dreg:$0x0]  }
0x2: {  	s2 =	rddreg [dreg:$0x1];
	s0 =	srdreg.scid  }
0x3: {  	s5 =	stileid.u32;
	s3 =	simm.s32 $0x0;
	s4 =	sand.u32 $0x1, s0  }
0x4: {  	s20 =	sshll.u32 s5, $0x8;
	[smem:$0x7FF] =	sst s3;
	s0 =	sadd.s32 $0x400, s1  }
0x5: {  	s19 =	sadd.s32 $0x600, s1;
	s7 =	sadd.s32 $0x400, s2;
	s8 =	sadd.s32 $0x500, s2  }
0x6: {  	s9 =	sadd.s32 $0x600, s2;
	s10 =	sadd.s32 $0x700, s2;
	s11 =	sadd.s32 $0x800, s2  }
0x7: {  	s12 =	sadd.s32 $0x900, s2;
	s13 =	sadd.s32 $0xA00, s2;
	s21 =	sshll.u32 s4, $0x7  }
0x8: {  	s14 =	sadd.s32 $0xB00, s2;
	s4 =	ssub.s32 $0x2, s4;
	s18 =	sor.u32 s21, s20  }
0x9: {  	_ =	strace $0x80000047;
	s6 =	sshrl.u32 s4, $0x1;
	s5 =	sshrl.u32 s18, $0x3  }
0xa: {  	s1 =	ssub.s32 s4, s6;
	s4 =	sadd.s32 $0x100, s2;
	s6 =	sadd.s32 $0x300, s2  }
0xb: {  	s15 =	sshll.u32 s18, $0x9;
	s16 =	sor.u32 $0x10, s18;
	s23 =	sor.u32 $0x20, s18  }
0xc: {  	s20 =	sor.u32 $0x30, s18;
	s30 =	sor.u32 $0x40, s18;
	s21 =	sor.u32 $0x50, s18  }
0xd: {  	s5 =	sadd.s32 s0, s5;
	s15 =	sadd.s32 s19, s15;
	s17 =	sshrl.u32 s16, $0x3  }
0xe: {  	s16 =	sshll.u32 s16, $0x9;
	s24 =	sshrl.u32 s23, $0x3;
	s26 =	sshrl.u32 s20, $0x3  }
0xf: {  	s29 =	sshll.u32 s20, $0x9;
	s31 =	sshrl.u32 s30, $0x3;
	[dreg:$0x3] =	wrdreg s5  }
0x10: {  	s20 =	sshll.u32 s30, $0x9;
	[dreg:$0x4] =	wrdreg s15;
	s22 =	sadd.s32 s0, s17  }
0x11: {  	s5 =	sadd.s32 $0x200, s2;
	s16 =	sadd.s32 s19, s16;
	[dreg:$0x5] =	wrdreg s22  }
0x12: {  	s15 =	sadd.s32 $0xC00, s2;
	s28 =	sadd.s32 s0, s26;
	[dreg:$0x6] =	wrdreg s16  }
0x13: {  	s17 =	sshll.u32 s23, $0x9;
	s20 =	sadd.s32 s19, s20;
	[dreg:$0x9] =	wrdreg s28  }
0x14: {  	s16 =	sadd.s32 s0, s24;
	s25 =	sadd.s32 s19, s17;
	[dreg:$0xc] =	wrdreg s20  }
0x15: {  	s17 =	sadd.s32 s19, s29;
	s22 =	sshrl.u32 s21, $0x3;
	[dreg:$0x7] =	wrdreg s16  }
0x16: {  	s24 =	sshll.u32 s21, $0x9;
	[dreg:$0x8] =	wrdreg s25;
	s16 =	sadd.s32 $0xD00, s2  }
0x17: {  	[dreg:$0xa] =	wrdreg s17;
	s17 =	sadd.s32 s0, s31;
	s23 =	sadd.s32 s0, s22  }
0x18: {  	s20 =	sadd.s32 s19, s24;
	s25 =	sor.u32 $0x60, s18;
	[dreg:$0xb] =	wrdreg s17  }
0x19: {  	s18 =	sor.u32 $0x70, s18;
	[dreg:$0xd] =	wrdreg s23;
	s17 =	sadd.s32 $0xE00, s2  }
0x1a: {  	[dreg:$0xe] =	wrdreg s20;
	s26 =	sshrl.u32 s25, $0x3;
	s21 =	sshll.u32 s25, $0x9  }
0x1b: {  	s29 =	sshrl.u32 s18, $0x3;
	s30 =	sshll.u32 s18, $0x9;
	s20 =	sadd.s32 s0, s26  }
0x1c: {  	s18 =	sadd.s32 $0xF00, s2;
	s28 =	sadd.s32 s19, s21;
	[dreg:$0xf] =	wrdreg s20  }
0x1d: {  	v2 =	vlaneseq.u32;
	s0 =	sadd.s32 s0, s29;
	s31 =	sadd.s32 s19, s30;
	[dreg:$0x10] =	wrdreg s28  }
0x1e: {  	vm0 =	vmmov $0xffff;
	v1 =	vshrl.u32 v2, $0x3;
	s19 =	smax.u32 s1, $0x1;
	s21 =	simm.s32 $0x80;
	[dreg:$0x11] =	wrdreg s0  }
0x1f: {  	v0 =	vand.u32 $0x7, v2;
	v2 =	vor.u32 $0x8, v2;
	v1 =	vmul.u32 $0x8, v1;
	[dreg:$0x12] =	wrdreg s31;
	s20 =	simm.s32 $0x2;
	s0 =	simm.s32 $0x1  }
.LBB2_1:
0x20: {  	s1 =	rddreg [dreg:$0x3]  }
0x21: {  	[tilespmem:s3], [sflag:$0x2] =	stream.linear.gather [hbm4b:s1+s3], $0x10, $0x38;
	[tilespmem:$0x10080] =	vst v63  }
0x22: {  	_ =	swait.ge [sflag:s20], $0x10  }
0x23: {  	[sflag:s20] =	ssyncset.done $0x0  }
0x24: {  	[sflag:s20] =	ssyncadd.s32 $0xFFFFFFF0  }
0x25: {  	v3 =	vld [tilespmem:$0x0];
	_ =	sdelay $0x4  }
0x26: {  	v4 =	vshll.u32 v3, $0x5  }
0x27: {  	v3 =	vand.u32 $0x7, v3;
	v4 =	vand.u32 $0xFFFFFF00, v4  }
0x28: {  	v3 =	vor.u32 v3, v4  }
0x29: {  	v4 =	vperm.xlane v3, v0;
	_ =	sdelay $0x1  }
0x2a: {  	v4 =	vadd.s32 v1, v4;
	_ =	sdelay $0x4  }
0x2b: {  	[tilespmem:s21], [sflag:$0x1] =	stream.indirect_vreg.gather [hbm4b:s2+s3], $0x80, v4, vm0, $0xb8;
	[tilespmem:$0x10080] =	vst v63  }
0x2c: {  	s31 =	simm.s32 $0x880  }
0x2d: {  	[tilespmem:s31], [sflag:$0x1] =	stream.indirect_vreg.gather [hbm4b:s4+s3], $0x80, v4, vm0, $0xb8;
	[tilespmem:$0x10080] =	vst v63  }
0x2e: {  	s22 =	simm.s32 $0x1080  }
0x2f: {  	[tilespmem:s22], [sflag:$0x1] =	stream.indirect_vreg.gather [hbm4b:s5+s3], $0x80, v4, vm0, $0xb8;
	[tilespmem:$0x10080] =	vst v63  }
0x30: {  	s23 =	simm.s32 $0x1880  }
0x31: {  	[tilespmem:s23], [sflag:$0x1] =	stream.indirect_vreg.gather [hbm4b:s6+s3], $0x80, v4, vm0, $0xb8;
	[tilespmem:$0x10080] =	vst v63  }
0x32: {  	s24 =	simm.s32 $0x2080  }
0x33: {  	[tilespmem:s24], [sflag:$0x1] =	stream.indirect_vreg.gather [hbm4b:s7+s3], $0x80, v4, vm0, $0xb8;
	[tilespmem:$0x10080] =	vst v63  }
0x34: {  	s25 =	simm.s32 $0x2880  }
0x35: {  	[tilespmem:s25], [sflag:$0x1] =	stream.indirect_vreg.gather [hbm4b:s8+s3], $0x80, v4, vm0, $0xb8;
	[tilespmem:$0x10080] =	vst v63  }
0x36: {  	s26 =	simm.s32 $0x3080  }
0x37: {  	[tilespmem:s26], [sflag:$0x1] =	stream.indirect_vreg.gather [hbm4b:s9+s3], $0x80, v4, vm0, $0xb8;
	[tilespmem:$0x10080] =	vst v63  }
0x38: {  	s28 =	simm.s32 $0x3880  }
0x39: {  	[tilespmem:s28], [sflag:$0x1] =	stream.indirect_vreg.gather [hbm4b:s10+s3], $0x80, v4, vm0, $0xb8;
	[tilespmem:$0x10080] =	vst v63  }
0x3a: {  	s29 =	simm.s32 $0x4080  }
0x3b: {  	[tilespmem:s29], [sflag:$0x1] =	stream.indirect_vreg.gather [hbm4b:s11+s3], $0x80, v4, vm0, $0xb8;
	[tilespmem:$0x10080] =	vst v63  }
0x3c: {  	s30 =	simm.s32 $0x4880  }
0x3d: {  	[tilespmem:s30], [sflag:$0x1] =	stream.indirect_vreg.gather [hbm4b:s12+s3], $0x80, v4, vm0, $0xb8;
	[tilespmem:$0x10080] =	vst v63  }
0x3e: {  	s31 =	simm.s32 $0x5080  }
0x3f: {  	[tilespmem:s31], [sflag:$0x1] =	stream.indirect_vreg.gather [hbm4b:s13+s3], $0x80, v4, vm0, $0xb8;
	[tilespmem:$0x10080] =	vst v63  }
0x40: {  	s22 =	simm.s32 $0x5880  }
0x41: {  	[tilespmem:s22], [sflag:$0x1] =	stream.indirect_vreg.gather [hbm4b:s14+s3], $0x80, v4, vm0, $0xb8;
	[tilespmem:$0x10080] =	vst v63  }
0x42: {  	s23 =	simm.s32 $0x6080  }
0x43: {  	[tilespmem:s23], [sflag:$0x1] =	stream.indirect_vreg.gather [hbm4b:s15+s3], $0x80, v4, vm0, $0xb8;
	[tilespmem:$0x10080] =	vst v63  }
0x44: {  	v3 =	vperm.xlane v3, v2;
	s24 =	simm.s32 $0x6880  }
0x45: {  	[tilespmem:s24], [sflag:$0x1] =	stream.indirect_vreg.gather [hbm4b:s16+s3], $0x80, v4, vm0, $0xb8;
	[tilespmem:$0x10080] =	vst v63  }
0x46: {  	v3 =	vadd.s32 v1, v3;
	s28 =	simm.s32 $0x7080  }
0x47: {  	[tilespmem:s28], [sflag:$0x1] =	stream.indirect_vreg.gather [hbm4b:s17+s3], $0x80, v4, vm0, $0xb8;
	[tilespmem:$0x10080] =	vst v63  }
0x48: {  	s29 =	simm.s32 $0x7880  }
0x49: {  	[tilespmem:s29], [sflag:$0x1] =	stream.indirect_vreg.gather [hbm4b:s18+s3], $0x80, v4, vm0, $0xb8;
	[tilespmem:$0x10080] =	vst v63  }
0x4a: {  	s30 =	simm.s32 $0x8080  }
0x4b: {  	[tilespmem:s30], [sflag:$0x1] =	stream.indirect_vreg.gather [hbm4b:s2+s3], $0x80, v3, vm0, $0xb8;
	[tilespmem:$0x10080] =	vst v63  }
0x4c: {  	s31 =	simm.s32 $0x8880  }
0x4d: {  	[tilespmem:s31], [sflag:$0x1] =	stream.indirect_vreg.gather [hbm4b:s4+s3], $0x80, v3, vm0, $0xb8;
	[tilespmem:$0x10080] =	vst v63  }
0x4e: {  	s24 =	simm.s32 $0x9080  }
0x4f: {  	[tilespmem:s24], [sflag:$0x1] =	stream.indirect_vreg.gather [hbm4b:s5+s3], $0x80, v3, vm0, $0xb8;
	[tilespmem:$0x10080] =	vst v63  }
0x50: {  	s24 =	simm.s32 $0x9880  }
0x51: {  	[tilespmem:s24], [sflag:$0x1] =	stream.indirect_vreg.gather [hbm4b:s6+s3], $0x80, v3, vm0, $0xb8;
	[tilespmem:$0x10080] =	vst v63  }
0x52: {  	s24 =	simm.s32 $0xA080  }
0x53: {  	[tilespmem:s24], [sflag:$0x1] =	stream.indirect_vreg.gather [hbm4b:s7+s3], $0x80, v3, vm0, $0xb8;
	[tilespmem:$0x10080] =	vst v63  }
0x54: {  	s24 =	simm.s32 $0xA880  }
0x55: {  	[tilespmem:s24], [sflag:$0x1] =	stream.indirect_vreg.gather [hbm4b:s8+s3], $0x80, v3, vm0, $0xb8;
	[tilespmem:$0x10080] =	vst v63  }
0x56: {  	s24 =	simm.s32 $0xB080  }
0x57: {  	[tilespmem:s24], [sflag:$0x1] =	stream.indirect_vreg.gather [hbm4b:s9+s3], $0x80, v3, vm0, $0xb8;
	[tilespmem:$0x10080] =	vst v63  }
0x58: {  	s24 =	simm.s32 $0xB880  }
0x59: {  	[tilespmem:s24], [sflag:$0x1] =	stream.indirect_vreg.gather [hbm4b:s10+s3], $0x80, v3, vm0, $0xb8;
	[tilespmem:$0x10080] =	vst v63  }
0x5a: {  	s24 =	simm.s32 $0xC080  }
0x5b: {  	[tilespmem:s24], [sflag:$0x1] =	stream.indirect_vreg.gather [hbm4b:s11+s3], $0x80, v3, vm0, $0xb8;
	[tilespmem:$0x10080] =	vst v63  }
0x5c: {  	s24 =	simm.s32 $0xC880  }
0x5d: {  	[tilespmem:s24], [sflag:$0x1] =	stream.indirect_vreg.gather [hbm4b:s12+s3], $0x80, v3, vm0, $0xb8;
	[tilespmem:$0x10080] =	vst v63  }
0x5e: {  	s24 =	simm.s32 $0xD080  }
0x5f: {  	[tilespmem:s24], [sflag:$0x1] =	stream.indirect_vreg.gather [hbm4b:s13+s3], $0x80, v3, vm0, $0xb8;
	[tilespmem:$0x10080] =	vst v63  }
0x60: {  	s24 =	simm.s32 $0xD880  }
0x61: {  	[tilespmem:s24], [sflag:$0x1] =	stream.indirect_vreg.gather [hbm4b:s14+s3], $0x80, v3, vm0, $0xb8;
	[tilespmem:$0x10080] =	vst v63  }
0x62: {  	s24 =	simm.s32 $0xE080  }
0x63: {  	[tilespmem:s24], [sflag:$0x1] =	stream.indirect_vreg.gather [hbm4b:s15+s3], $0x80, v3, vm0, $0xb8;
	[tilespmem:$0x10080] =	vst v63  }
0x64: {  	s24 =	simm.s32 $0xE880  }
0x65: {  	[tilespmem:s24], [sflag:$0x1] =	stream.indirect_vreg.gather [hbm4b:s16+s3], $0x80, v3, vm0, $0xb8;
	[tilespmem:$0x10080] =	vst v63  }
0x66: {  	s24 =	simm.s32 $0xF080  }
0x67: {  	[tilespmem:s24], [sflag:$0x1] =	stream.indirect_vreg.gather [hbm4b:s17+s3], $0x80, v3, vm0, $0xb8;
	[tilespmem:$0x10080] =	vst v63  }
0x68: {  	s24 =	simm.s32 $0xF880  }
0x69: {  	[tilespmem:s24], [sflag:$0x1] =	stream.indirect_vreg.gather [hbm4b:s18+s3], $0x80, v3, vm0, $0xb8;
	[tilespmem:$0x10080] =	vst v63  }
0x6a: {  	_ =	swait.ge [sflag:s0], $0x10000  }
0x6b: {  	[sflag:s0] =	ssyncset.done $0x0  }
0x6c: {  	s1 =	rddreg [dreg:$0x4];
	[sflag:s0] =	ssyncadd.s32 $0xFFFF0000  }
0x6d: {  	[hbm4b:s1+s3] =	stream.linear.scatter [tilespmem:s21], [sflag:$0x2], $0x10000, $0x38;
	[tilespmem:$0x10080] =	vst v63  }
0x6e: {  	_ =	swait.ge [sflag:s20], $0x10000  }
0x6f: {  	[sflag:s20] =	ssyncset.done $0x0  }
0x70: {  	s1 =	rddreg [dreg:$0x5];
	[sflag:s20] =	ssyncadd.s32 $0xFFFF0000  }
0x71: {  	[tilespmem:s3], [sflag:$0x2] =	stream.linear.gather [hbm4b:s1+s3], $0x10, $0x38;
	[tilespmem:$0x10080] =	vst v63  }
0x72: {  	_ =	swait.ge [sflag:s20], $0x10  }
0x73: {  	[sflag:s20] =	ssyncset.done $0x0  }
0x74: {  	[sflag:s20] =	ssyncadd.s32 $0xFFFFFFF0  }
0x75: {  	v3 =	vld [tilespmem:$0x0];
	_ =	sdelay $0x4  }
0x76: {  	v57 =	vshll.u32 v3, $0x5  }
0x77: {  	v3 =	vand.u32 $0x7, v3;
	v4 =	vand.u32 $0xFFFFFF00, v57  }
0x78: {  	v3 =	vor.u32 v3, v4  }
0x79: {  	v4 =	vperm.xlane v3, v0;
	_ =	sdelay $0x1  }
0x7a: {  	v4 =	vadd.s32 v1, v4;
	_ =	sdelay $0x4  }
0x7b: {  	[tilespmem:s21], [sflag:$0x1] =	stream.indirect_vreg.gather [hbm4b:s2+s3], $0x80, v4, vm0, $0xb8;
	[tilespmem:$0x10080] =	vst v63  }
0x7c: {  	s1 =	simm.s32 $0x880  }
0x7d: {  	[tilespmem:s1], [sflag:$0x1] =	stream.indirect_vreg.gather [hbm4b:s4+s3], $0x80, v4, vm0, $0xb8;
	[tilespmem:$0x10080] =	vst v63  }
0x7e: {  	s1 =	simm.s32 $0x1080  }
0x7f: {  	[tilespmem:s1], [sflag:$0x1] =	stream.indirect_vreg.gather [hbm4b:s5+s3], $0x80, v4, vm0, $0xb8;
	[tilespmem:$0x10080] =	vst v63  }
0x80: {  	s1 =	simm.s32 $0x1880  }
0x81: {  	[tilespmem:s1], [sflag:$0x1] =	stream.indirect_vreg.gather [hbm4b:s6+s3], $0x80, v4, vm0, $0xb8;
	[tilespmem:$0x10080] =	vst v63  }
0x82: {  	s1 =	simm.s32 $0x2080  }
0x83: {  	[tilespmem:s1], [sflag:$0x1] =	stream.indirect_vreg.gather [hbm4b:s7+s3], $0x80, v4, vm0, $0xb8;
	[tilespmem:$0x10080] =	vst v63  }
0x84: {  	s1 =	simm.s32 $0x2880  }
0x85: {  	[tilespmem:s1], [sflag:$0x1] =	stream.indirect_vreg.gather [hbm4b:s8+s3], $0x80, v4, vm0, $0xb8;
	[tilespmem:$0x10080] =	vst v63  }
0x86: {  	s1 =	simm.s32 $0x3080  }
0x87: {  	[tilespmem:s1], [sflag:$0x1] =	stream.indirect_vreg.gather [hbm4b:s9+s3], $0x80, v4, vm0, $0xb8;
	[tilespmem:$0x10080] =	vst v63  }
0x88: {  	s1 =	simm.s32 $0x3880  }
0x89: {  	[tilespmem:s1], [sflag:$0x1] =	stream.indirect_vreg.gather [hbm4b:s10+s3], $0x80, v4, vm0, $0xb8;
	[tilespmem:$0x10080] =	vst v63  }
0x8a: {  	s1 =	simm.s32 $0x4080  }
0x8b: {  	[tilespmem:s1], [sflag:$0x1] =	stream.indirect_vreg.gather [hbm4b:s11+s3], $0x80, v4, vm0, $0xb8;
	[tilespmem:$0x10080] =	vst v63  }
0x8c: {  	s1 =	simm.s32 $0x4880  }
0x8d: {  	[tilespmem:s1], [sflag:$0x1] =	stream.indirect_vreg.gather [hbm4b:s12+s3], $0x80, v4, vm0, $0xb8;
	[tilespmem:$0x10080] =	vst v63  }
0x8e: {  	s25 =	simm.s32 $0x5080  }
0x8f: {  	[tilespmem:s25], [sflag:$0x1] =	stream.indirect_vreg.gather [hbm4b:s13+s3], $0x80, v4, vm0, $0xb8;
	[tilespmem:$0x10080] =	vst v63  }
0x90: {  	s26 =	simm.s32 $0x5880  }
0x91: {  	[tilespmem:s26], [sflag:$0x1] =	stream.indirect_vreg.gather [hbm4b:s14+s3], $0x80, v4, vm0, $0xb8;
	[tilespmem:$0x10080] =	vst v63  }
0x92: {  	s22 =	simm.s32 $0x6080  }
0x93: {  	[tilespmem:s22], [sflag:$0x1] =	stream.indirect_vreg.gather [hbm4b:s15+s3], $0x80, v4, vm0, $0xb8;
	[tilespmem:$0x10080] =	vst v63  }
0x94: {  	s23 =	simm.s32 $0x6880;
	v3 =	vperm.xlane v3, v2  }
0x95: {  	[tilespmem:s23], [sflag:$0x1] =	stream.indirect_vreg.gather [hbm4b:s16+s3], $0x80, v4, vm0, $0xb8;
	[tilespmem:$0x10080] =	vst v63  }
0x96: {  	s28 =	simm.s32 $0x7080;
	v3 =	vadd.s32 v1, v3  }
0x97: {  	[tilespmem:s28], [sflag:$0x1] =	stream.indirect_vreg.gather [hbm4b:s17+s3], $0x80, v4, vm0, $0xb8;
	[tilespmem:$0x10080] =	vst v63  }
0x98: {  	s29 =	simm.s32 $0x7880  }
0x99: {  	[tilespmem:s29], [sflag:$0x1] =	stream.indirect_vreg.gather [hbm4b:s18+s3], $0x80, v4, vm0, $0xb8;
	[tilespmem:$0x10080] =	vst v63  }
0x9a: {  	s30 =	simm.s32 $0x8080  }
0x9b: {  	[tilespmem:s30], [sflag:$0x1] =	stream.indirect_vreg.gather [hbm4b:s2+s3], $0x80, v3, vm0, $0xb8;
	[tilespmem:$0x10080] =	vst v63  }
0x9c: {  	s31 =	simm.s32 $0x8880  }
0x9d: {  	[tilespmem:s31], [sflag:$0x1] =	stream.indirect_vreg.gather [hbm4b:s4+s3], $0x80, v3, vm0, $0xb8;
	[tilespmem:$0x10080] =	vst v63  }
0x9e: {  	s30 =	simm.s32 $0x9080  }
0x9f: {  	[tilespmem:s30], [sflag:$0x1] =	stream.indirect_vreg.gather [hbm4b:s5+s3], $0x80, v3, vm0, $0xb8;
	[tilespmem:$0x10080] =	vst v63  }
0xa0: {  	s31 =	simm.s32 $0x9880  }
0xa1: {  	[tilespmem:s31], [sflag:$0x1] =	stream.indirect_vreg.gather [hbm4b:s6+s3], $0x80, v3, vm0, $0xb8;
	[tilespmem:$0x10080] =	vst v63  }
0xa2: {  	s1 =	simm.s32 $0xA080  }
0xa3: {  	[tilespmem:s1], [sflag:$0x1] =	stream.indirect_vreg.gather [hbm4b:s7+s3], $0x80, v3, vm0, $0xb8;
	[tilespmem:$0x10080] =	vst v63  }
0xa4: {  	s1 =	simm.s32 $0xA880  }
0xa5: {  	[tilespmem:s1], [sflag:$0x1] =	stream.indirect_vreg.gather [hbm4b:s8+s3], $0x80, v3, vm0, $0xb8;
	[tilespmem:$0x10080] =	vst v63  }
0xa6: {  	s1 =	simm.s32 $0xB080  }
0xa7: {  	[tilespmem:s1], [sflag:$0x1] =	stream.indirect_vreg.gather [hbm4b:s9+s3], $0x80, v3, vm0, $0xb8;
	[tilespmem:$0x10080] =	vst v63  }
0xa8: {  	s1 =	simm.s32 $0xB880  }
0xa9: {  	[tilespmem:s1], [sflag:$0x1] =	stream.indirect_vreg.gather [hbm4b:s10+s3], $0x80, v3, vm0, $0xb8;
	[tilespmem:$0x10080] =	vst v63  }
0xaa: {  	s1 =	simm.s32 $0xC080  }
0xab: {  	[tilespmem:s1], [sflag:$0x1] =	stream.indirect_vreg.gather [hbm4b:s11+s3], $0x80, v3, vm0, $0xb8;
	[tilespmem:$0x10080] =	vst v63  }
0xac: {  	s1 =	simm.s32 $0xC880  }
0xad: {  	[tilespmem:s1], [sflag:$0x1] =	stream.indirect_vreg.gather [hbm4b:s12+s3], $0x80, v3, vm0, $0xb8;
	[tilespmem:$0x10080] =	vst v63  }
0xae: {  	s1 =	simm.s32 $0xD080  }
0xaf: {  	[tilespmem:s1], [sflag:$0x1] =	stream.indirect_vreg.gather [hbm4b:s13+s3], $0x80, v3, vm0, $0xb8;
	[tilespmem:$0x10080] =	vst v63  }
0xb0: {  	s1 =	simm.s32 $0xD880  }
0xb1: {  	[tilespmem:s1], [sflag:$0x1] =	stream.indirect_vreg.gather [hbm4b:s14+s3], $0x80, v3, vm0, $0xb8;
	[tilespmem:$0x10080] =	vst v63  }
0xb2: {  	s1 =	simm.s32 $0xE080  }
0xb3: {  	[tilespmem:s1], [sflag:$0x1] =	stream.indirect_vreg.gather [hbm4b:s15+s3], $0x80, v3, vm0, $0xb8;
	[tilespmem:$0x10080] =	vst v63  }
0xb4: {  	s1 =	simm.s32 $0xE880  }
0xb5: {  	[tilespmem:s1], [sflag:$0x1] =	stream.indirect_vreg.gather [hbm4b:s16+s3], $0x80, v3, vm0, $0xb8;
	[tilespmem:$0x10080] =	vst v63  }
0xb6: {  	s1 =	simm.s32 $0xF080  }
0xb7: {  	[tilespmem:s1], [sflag:$0x1] =	stream.indirect_vreg.gather [hbm4b:s17+s3], $0x80, v3, vm0, $0xb8;
	[tilespmem:$0x10080] =	vst v63  }
0xb8: {  	s24 =	simm.s32 $0xF880  }
0xb9: {  	[tilespmem:s24], [sflag:$0x1] =	stream.indirect_vreg.gather [hbm4b:s18+s3], $0x80, v3, vm0, $0xb8;
	[tilespmem:$0x10080] =	vst v63  }
0xba: {  	_ =	swait.ge [sflag:s0], $0x10000  }
0xbb: {  	[sflag:s0] =	ssyncset.done $0x0  }
0xbc: {  	s1 =	rddreg [dreg:$0x6];
	[sflag:s0] =	ssyncadd.s32 $0xFFFF0000  }
0xbd: {  	[hbm4b:s1+s3] =	stream.linear.scatter [tilespmem:s21], [sflag:$0x2], $0x10000, $0x38;
	[tilespmem:$0x10080] =	vst v63  }
0xbe: {  	_ =	swait.ge [sflag:s20], $0x10000  }
0xbf: {  	[sflag:s20] =	ssyncset.done $0x0  }
0xc0: {  	s1 =	rddreg [dreg:$0x7];
	[sflag:s20] =	ssyncadd.s32 $0xFFFF0000  }
0xc1: {  	[tilespmem:s3], [sflag:$0x2] =	stream.linear.gather [hbm4b:s1+s3], $0x10, $0x38;
	[tilespmem:$0x10080] =	vst v63  }
0xc2: {  	_ =	swait.ge [sflag:s20], $0x10  }
0xc3: {  	[sflag:s20] =	ssyncset.done $0x0  }
0xc4: {  	[sflag:s20] =	ssyncadd.s32 $0xFFFFFFF0  }
0xc5: {  	v3 =	vld [tilespmem:$0x0];
	_ =	sdelay $0x4  }
0xc6: {  	v58 =	vshll.u32 v3, $0x5  }
0xc7: {  	v3 =	vand.u32 $0x7, v3;
	v4 =	vand.u32 $0xFFFFFF00, v58  }
0xc8: {  	v3 =	vor.u32 v3, v4  }
0xc9: {  	v4 =	vperm.xlane v3, v0;
	_ =	sdelay $0x1  }
0xca: {  	v4 =	vadd.s32 v1, v4;
	_ =	sdelay $0x4  }
0xcb: {  	[tilespmem:s21], [sflag:$0x1] =	stream.indirect_vreg.gather [hbm4b:s2+s3], $0x80, v4, vm0, $0xb8;
	[tilespmem:$0x10080] =	vst v63  }
0xcc: {  	s1 =	simm.s32 $0x880  }
0xcd: {  	[tilespmem:s1], [sflag:$0x1] =	stream.indirect_vreg.gather [hbm4b:s4+s3], $0x80, v4, vm0, $0xb8;
	[tilespmem:$0x10080] =	vst v63  }
0xce: {  	s1 =	simm.s32 $0x1080  }
0xcf: {  	[tilespmem:s1], [sflag:$0x1] =	stream.indirect_vreg.gather [hbm4b:s5+s3], $0x80, v4, vm0, $0xb8;
	[tilespmem:$0x10080] =	vst v63  }
0xd0: {  	s1 =	simm.s32 $0x1880  }
0xd1: {  	[tilespmem:s1], [sflag:$0x1] =	stream.indirect_vreg.gather [hbm4b:s6+s3], $0x80, v4, vm0, $0xb8;
	[tilespmem:$0x10080] =	vst v63  }
0xd2: {  	s1 =	simm.s32 $0x2080  }
0xd3: {  	[tilespmem:s1], [sflag:$0x1] =	stream.indirect_vreg.gather [hbm4b:s7+s3], $0x80, v4, vm0, $0xb8;
	[tilespmem:$0x10080] =	vst v63  }
0xd4: {  	s1 =	simm.s32 $0x2880  }
0xd5: {  	[tilespmem:s1], [sflag:$0x1] =	stream.indirect_vreg.gather [hbm4b:s8+s3], $0x80, v4, vm0, $0xb8;
	[tilespmem:$0x10080] =	vst v63  }
0xd6: {  	s1 =	simm.s32 $0x3080  }
0xd7: {  	[tilespmem:s1], [sflag:$0x1] =	stream.indirect_vreg.gather [hbm4b:s9+s3], $0x80, v4, vm0, $0xb8;
	[tilespmem:$0x10080] =	vst v63  }
0xd8: {  	s1 =	simm.s32 $0x3880  }
0xd9: {  	[tilespmem:s1], [sflag:$0x1] =	stream.indirect_vreg.gather [hbm4b:s10+s3], $0x80, v4, vm0, $0xb8;
	[tilespmem:$0x10080] =	vst v63  }
0xda: {  	s1 =	simm.s32 $0x4080  }
0xdb: {  	[tilespmem:s1], [sflag:$0x1] =	stream.indirect_vreg.gather [hbm4b:s11+s3], $0x80, v4, vm0, $0xb8;
	[tilespmem:$0x10080] =	vst v63  }
0xdc: {  	s1 =	simm.s32 $0x4880  }
0xdd: {  	[tilespmem:s1], [sflag:$0x1] =	stream.indirect_vreg.gather [hbm4b:s12+s3], $0x80, v4, vm0, $0xb8;
	[tilespmem:$0x10080] =	vst v63  }
0xde: {  	s25 =	simm.s32 $0x5080  }
0xdf: {  	[tilespmem:s25], [sflag:$0x1] =	stream.indirect_vreg.gather [hbm4b:s13+s3], $0x80, v4, vm0, $0xb8;
	[tilespmem:$0x10080] =	vst v63  }
0xe0: {  	s26 =	simm.s32 $0x5880  }
0xe1: {  	[tilespmem:s26], [sflag:$0x1] =	stream.indirect_vreg.gather [hbm4b:s14+s3], $0x80, v4, vm0, $0xb8;
	[tilespmem:$0x10080] =	vst v63  }
0xe2: {  	s1 =	simm.s32 $0x6080  }
0xe3: {  	[tilespmem:s1], [sflag:$0x1] =	stream.indirect_vreg.gather [hbm4b:s15+s3], $0x80, v4, vm0, $0xb8;
	[tilespmem:$0x10080] =	vst v63  }
0xe4: {  	v3 =	vperm.xlane v3, v2;
	s1 =	simm.s32 $0x6880  }
0xe5: {  	[tilespmem:s1], [sflag:$0x1] =	stream.indirect_vreg.gather [hbm4b:s16+s3], $0x80, v4, vm0, $0xb8;
	[tilespmem:$0x10080] =	vst v63  }
0xe6: {  	s28 =	simm.s32 $0x7080;
	v3 =	vadd.s32 v1, v3  }
0xe7: {  	[tilespmem:s28], [sflag:$0x1] =	stream.indirect_vreg.gather [hbm4b:s17+s3], $0x80, v4, vm0, $0xb8;
	[tilespmem:$0x10080] =	vst v63  }
0xe8: {  	s22 =	simm.s32 $0x7880  }
0xe9: {  	[tilespmem:s22], [sflag:$0x1] =	stream.indirect_vreg.gather [hbm4b:s18+s3], $0x80, v4, vm0, $0xb8;
	[tilespmem:$0x10080] =	vst v63  }
0xea: {  	s23 =	simm.s32 $0x8080  }
0xeb: {  	[tilespmem:s23], [sflag:$0x1] =	stream.indirect_vreg.gather [hbm4b:s2+s3], $0x80, v3, vm0, $0xb8;
	[tilespmem:$0x10080] =	vst v63  }
0xec: {  	s29 =	simm.s32 $0x8880  }
0xed: {  	[tilespmem:s29], [sflag:$0x1] =	stream.indirect_vreg.gather [hbm4b:s4+s3], $0x80, v3, vm0, $0xb8;
	[tilespmem:$0x10080] =	vst v63  }
0xee: {  	s30 =	simm.s32 $0x9080  }
0xef: {  	[tilespmem:s30], [sflag:$0x1] =	stream.indirect_vreg.gather [hbm4b:s5+s3], $0x80, v3, vm0, $0xb8;
	[tilespmem:$0x10080] =	vst v63  }
0xf0: {  	s31 =	simm.s32 $0x9880  }
0xf1: {  	[tilespmem:s31], [sflag:$0x1] =	stream.indirect_vreg.gather [hbm4b:s6+s3], $0x80, v3, vm0, $0xb8;
	[tilespmem:$0x10080] =	vst v63  }
0xf2: {  	s31 =	simm.s32 $0xA080  }
0xf3: {  	[tilespmem:s31], [sflag:$0x1] =	stream.indirect_vreg.gather [hbm4b:s7+s3], $0x80, v3, vm0, $0xb8;
	[tilespmem:$0x10080] =	vst v63  }
0xf4: {  	s1 =	simm.s32 $0xA880  }
0xf5: {  	[tilespmem:s1], [sflag:$0x1] =	stream.indirect_vreg.gather [hbm4b:s8+s3], $0x80, v3, vm0, $0xb8;
	[tilespmem:$0x10080] =	vst v63  }
0xf6: {  	s1 =	simm.s32 $0xB080  }
0xf7: {  	[tilespmem:s1], [sflag:$0x1] =	stream.indirect_vreg.gather [hbm4b:s9+s3], $0x80, v3, vm0, $0xb8;
	[tilespmem:$0x10080] =	vst v63  }
0xf8: {  	s1 =	simm.s32 $0xB880  }
0xf9: {  	[tilespmem:s1], [sflag:$0x1] =	stream.indirect_vreg.gather [hbm4b:s10+s3], $0x80, v3, vm0, $0xb8;
	[tilespmem:$0x10080] =	vst v63  }
0xfa: {  	s1 =	simm.s32 $0xC080  }
0xfb: {  	[tilespmem:s1], [sflag:$0x1] =	stream.indirect_vreg.gather [hbm4b:s11+s3], $0x80, v3, vm0, $0xb8;
	[tilespmem:$0x10080] =	vst v63  }
0xfc: {  	s1 =	simm.s32 $0xC880  }
0xfd: {  	[tilespmem:s1], [sflag:$0x1] =	stream.indirect_vreg.gather [hbm4b:s12+s3], $0x80, v3, vm0, $0xb8;
	[tilespmem:$0x10080] =	vst v63  }
0xfe: {  	s1 =	simm.s32 $0xD080  }
0xff: {  	[tilespmem:s1], [sflag:$0x1] =	stream.indirect_vreg.gather [hbm4b:s13+s3], $0x80, v3, vm0, $0xb8;
	[tilespmem:$0x10080] =	vst v63  }
0x100: {  	s1 =	simm.s32 $0xD880  }
0x101: {  	[tilespmem:s1], [sflag:$0x1] =	stream.indirect_vreg.gather [hbm4b:s14+s3], $0x80, v3, vm0, $0xb8;
	[tilespmem:$0x10080] =	vst v63  }
0x102: {  	s1 =	simm.s32 $0xE080  }
0x103: {  	[tilespmem:s1], [sflag:$0x1] =	stream.indirect_vreg.gather [hbm4b:s15+s3], $0x80, v3, vm0, $0xb8;
	[tilespmem:$0x10080] =	vst v63  }
0x104: {  	s1 =	simm.s32 $0xE880  }
0x105: {  	[tilespmem:s1], [sflag:$0x1] =	stream.indirect_vreg.gather [hbm4b:s16+s3], $0x80, v3, vm0, $0xb8;
	[tilespmem:$0x10080] =	vst v63  }
0x106: {  	s1 =	simm.s32 $0xF080  }
0x107: {  	[tilespmem:s1], [sflag:$0x1] =	stream.indirect_vreg.gather [hbm4b:s17+s3], $0x80, v3, vm0, $0xb8;
	[tilespmem:$0x10080] =	vst v63  }
0x108: {  	s24 =	simm.s32 $0xF880  }
0x109: {  	[tilespmem:s24], [sflag:$0x1] =	stream.indirect_vreg.gather [hbm4b:s18+s3], $0x80, v3, vm0, $0xb8;
	[tilespmem:$0x10080] =	vst v63  }
0x10a: {  	_ =	swait.ge [sflag:s0], $0x10000  }
0x10b: {  	[sflag:s0] =	ssyncset.done $0x0  }
0x10c: {  	s1 =	rddreg [dreg:$0x8];
	[sflag:s0] =	ssyncadd.s32 $0xFFFF0000  }
0x10d: {  	[hbm4b:s1+s3] =	stream.linear.scatter [tilespmem:s21], [sflag:$0x2], $0x10000, $0x38;
	[tilespmem:$0x10080] =	vst v63  }
0x10e: {  	_ =	swait.ge [sflag:s20], $0x10000  }
0x10f: {  	[sflag:s20] =	ssyncset.done $0x0  }
0x110: {  	s1 =	rddreg [dreg:$0x9];
	[sflag:s20] =	ssyncadd.s32 $0xFFFF0000  }
0x111: {  	[tilespmem:s3], [sflag:$0x2] =	stream.linear.gather [hbm4b:s1+s3], $0x10, $0x38;
	[tilespmem:$0x10080] =	vst v63  }
0x112: {  	_ =	swait.ge [sflag:s20], $0x10  }
0x113: {  	[sflag:s20] =	ssyncset.done $0x0  }
0x114: {  	[sflag:s20] =	ssyncadd.s32 $0xFFFFFFF0  }
0x115: {  	v3 =	vld [tilespmem:$0x0];
	_ =	sdelay $0x4  }
0x116: {  	v59 =	vshll.u32 v3, $0x5  }
0x117: {  	v3 =	vand.u32 $0x7, v3;
	v4 =	vand.u32 $0xFFFFFF00, v59  }
0x118: {  	v3 =	vor.u32 v3, v4  }
0x119: {  	v4 =	vperm.xlane v3, v0;
	_ =	sdelay $0x1  }
0x11a: {  	v4 =	vadd.s32 v1, v4;
	_ =	sdelay $0x4  }
0x11b: {  	[tilespmem:s21], [sflag:$0x1] =	stream.indirect_vreg.gather [hbm4b:s2+s3], $0x80, v4, vm0, $0xb8;
	[tilespmem:$0x10080] =	vst v63  }
0x11c: {  	s1 =	simm.s32 $0x880  }
0x11d: {  	[tilespmem:s1], [sflag:$0x1] =	stream.indirect_vreg.gather [hbm4b:s4+s3], $0x80, v4, vm0, $0xb8;
	[tilespmem:$0x10080] =	vst v63  }
0x11e: {  	s1 =	simm.s32 $0x1080  }
0x11f: {  	[tilespmem:s1], [sflag:$0x1] =	stream.indirect_vreg.gather [hbm4b:s5+s3], $0x80, v4, vm0, $0xb8;
	[tilespmem:$0x10080] =	vst v63  }
0x120: {  	s1 =	simm.s32 $0x1880  }
0x121: {  	[tilespmem:s1], [sflag:$0x1] =	stream.indirect_vreg.gather [hbm4b:s6+s3], $0x80, v4, vm0, $0xb8;
	[tilespmem:$0x10080] =	vst v63  }
0x122: {  	s1 =	simm.s32 $0x2080  }
0x123: {  	[tilespmem:s1], [sflag:$0x1] =	stream.indirect_vreg.gather [hbm4b:s7+s3], $0x80, v4, vm0, $0xb8;
	[tilespmem:$0x10080] =	vst v63  }
0x124: {  	s1 =	simm.s32 $0x2880  }
0x125: {  	[tilespmem:s1], [sflag:$0x1] =	stream.indirect_vreg.gather [hbm4b:s8+s3], $0x80, v4, vm0, $0xb8;
	[tilespmem:$0x10080] =	vst v63  }
0x126: {  	s1 =	simm.s32 $0x3080  }
0x127: {  	[tilespmem:s1], [sflag:$0x1] =	stream.indirect_vreg.gather [hbm4b:s9+s3], $0x80, v4, vm0, $0xb8;
	[tilespmem:$0x10080] =	vst v63  }
0x128: {  	s1 =	simm.s32 $0x3880  }
0x129: {  	[tilespmem:s1], [sflag:$0x1] =	stream.indirect_vreg.gather [hbm4b:s10+s3], $0x80, v4, vm0, $0xb8;
	[tilespmem:$0x10080] =	vst v63  }
0x12a: {  	s1 =	simm.s32 $0x4080  }
0x12b: {  	[tilespmem:s1], [sflag:$0x1] =	stream.indirect_vreg.gather [hbm4b:s11+s3], $0x80, v4, vm0, $0xb8;
	[tilespmem:$0x10080] =	vst v63  }
0x12c: {  	s1 =	simm.s32 $0x4880  }
0x12d: {  	[tilespmem:s1], [sflag:$0x1] =	stream.indirect_vreg.gather [hbm4b:s12+s3], $0x80, v4, vm0, $0xb8;
	[tilespmem:$0x10080] =	vst v63  }
0x12e: {  	s25 =	simm.s32 $0x5080  }
0x12f: {  	[tilespmem:s25], [sflag:$0x1] =	stream.indirect_vreg.gather [hbm4b:s13+s3], $0x80, v4, vm0, $0xb8;
	[tilespmem:$0x10080] =	vst v63  }
0x130: {  	s26 =	simm.s32 $0x5880  }
0x131: {  	[tilespmem:s26], [sflag:$0x1] =	stream.indirect_vreg.gather [hbm4b:s14+s3], $0x80, v4, vm0, $0xb8;
	[tilespmem:$0x10080] =	vst v63  }
0x132: {  	s1 =	simm.s32 $0x6080  }
0x133: {  	[tilespmem:s1], [sflag:$0x1] =	stream.indirect_vreg.gather [hbm4b:s15+s3], $0x80, v4, vm0, $0xb8;
	[tilespmem:$0x10080] =	vst v63  }
0x134: {  	v3 =	vperm.xlane v3, v2;
	s1 =	simm.s32 $0x6880  }
0x135: {  	[tilespmem:s1], [sflag:$0x1] =	stream.indirect_vreg.gather [hbm4b:s16+s3], $0x80, v4, vm0, $0xb8;
	[tilespmem:$0x10080] =	vst v63  }
0x136: {  	v3 =	vadd.s32 v1, v3;
	s1 =	simm.s32 $0x7080  }
0x137: {  	[tilespmem:s1], [sflag:$0x1] =	stream.indirect_vreg.gather [hbm4b:s17+s3], $0x80, v4, vm0, $0xb8;
	[tilespmem:$0x10080] =	vst v63  }
0x138: {  	s22 =	simm.s32 $0x7880  }
0x139: {  	[tilespmem:s22], [sflag:$0x1] =	stream.indirect_vreg.gather [hbm4b:s18+s3], $0x80, v4, vm0, $0xb8;
	[tilespmem:$0x10080] =	vst v63  }
0x13a: {  	s23 =	simm.s32 $0x8080  }
0x13b: {  	[tilespmem:s23], [sflag:$0x1] =	stream.indirect_vreg.gather [hbm4b:s2+s3], $0x80, v3, vm0, $0xb8;
	[tilespmem:$0x10080] =	vst v63  }
0x13c: {  	s28 =	simm.s32 $0x8880  }
0x13d: {  	[tilespmem:s28], [sflag:$0x1] =	stream.indirect_vreg.gather [hbm4b:s4+s3], $0x80, v3, vm0, $0xb8;
	[tilespmem:$0x10080] =	vst v63  }
0x13e: {  	s29 =	simm.s32 $0x9080  }
0x13f: {  	[tilespmem:s29], [sflag:$0x1] =	stream.indirect_vreg.gather [hbm4b:s5+s3], $0x80, v3, vm0, $0xb8;
	[tilespmem:$0x10080] =	vst v63  }
0x140: {  	s30 =	simm.s32 $0x9880  }
0x141: {  	[tilespmem:s30], [sflag:$0x1] =	stream.indirect_vreg.gather [hbm4b:s6+s3], $0x80, v3, vm0, $0xb8;
	[tilespmem:$0x10080] =	vst v63  }
0x142: {  	s31 =	simm.s32 $0xA080  }
0x143: {  	[tilespmem:s31], [sflag:$0x1] =	stream.indirect_vreg.gather [hbm4b:s7+s3], $0x80, v3, vm0, $0xb8;
	[tilespmem:$0x10080] =	vst v63  }
0x144: {  	s1 =	simm.s32 $0xA880  }
0x145: {  	[tilespmem:s1], [sflag:$0x1] =	stream.indirect_vreg.gather [hbm4b:s8+s3], $0x80, v3, vm0, $0xb8;
	[tilespmem:$0x10080] =	vst v63  }
0x146: {  	s1 =	simm.s32 $0xB080  }
0x147: {  	[tilespmem:s1], [sflag:$0x1] =	stream.indirect_vreg.gather [hbm4b:s9+s3], $0x80, v3, vm0, $0xb8;
	[tilespmem:$0x10080] =	vst v63  }
0x148: {  	s1 =	simm.s32 $0xB880  }
0x149: {  	[tilespmem:s1], [sflag:$0x1] =	stream.indirect_vreg.gather [hbm4b:s10+s3], $0x80, v3, vm0, $0xb8;
	[tilespmem:$0x10080] =	vst v63  }
0x14a: {  	s1 =	simm.s32 $0xC080  }
0x14b: {  	[tilespmem:s1], [sflag:$0x1] =	stream.indirect_vreg.gather [hbm4b:s11+s3], $0x80, v3, vm0, $0xb8;
	[tilespmem:$0x10080] =	vst v63  }
0x14c: {  	s1 =	simm.s32 $0xC880  }
0x14d: {  	[tilespmem:s1], [sflag:$0x1] =	stream.indirect_vreg.gather [hbm4b:s12+s3], $0x80, v3, vm0, $0xb8;
	[tilespmem:$0x10080] =	vst v63  }
0x14e: {  	s1 =	simm.s32 $0xD080  }
0x14f: {  	[tilespmem:s1], [sflag:$0x1] =	stream.indirect_vreg.gather [hbm4b:s13+s3], $0x80, v3, vm0, $0xb8;
	[tilespmem:$0x10080] =	vst v63  }
0x150: {  	s1 =	simm.s32 $0xD880  }
0x151: {  	[tilespmem:s1], [sflag:$0x1] =	stream.indirect_vreg.gather [hbm4b:s14+s3], $0x80, v3, vm0, $0xb8;
	[tilespmem:$0x10080] =	vst v63  }
0x152: {  	s1 =	simm.s32 $0xE080  }
0x153: {  	[tilespmem:s1], [sflag:$0x1] =	stream.indirect_vreg.gather [hbm4b:s15+s3], $0x80, v3, vm0, $0xb8;
	[tilespmem:$0x10080] =	vst v63  }
0x154: {  	s1 =	simm.s32 $0xE880  }
0x155: {  	[tilespmem:s1], [sflag:$0x1] =	stream.indirect_vreg.gather [hbm4b:s16+s3], $0x80, v3, vm0, $0xb8;
	[tilespmem:$0x10080] =	vst v63  }
0x156: {  	s1 =	simm.s32 $0xF080  }
0x157: {  	[tilespmem:s1], [sflag:$0x1] =	stream.indirect_vreg.gather [hbm4b:s17+s3], $0x80, v3, vm0, $0xb8;
	[tilespmem:$0x10080] =	vst v63  }
0x158: {  	s24 =	simm.s32 $0xF880  }
0x159: {  	[tilespmem:s24], [sflag:$0x1] =	stream.indirect_vreg.gather [hbm4b:s18+s3], $0x80, v3, vm0, $0xb8;
	[tilespmem:$0x10080] =	vst v63  }
0x15a: {  	_ =	swait.ge [sflag:s0], $0x10000  }
0x15b: {  	[sflag:s0] =	ssyncset.done $0x0  }
0x15c: {  	s1 =	rddreg [dreg:$0xa];
	[sflag:s0] =	ssyncadd.s32 $0xFFFF0000  }
0x15d: {  	[hbm4b:s1+s3] =	stream.linear.scatter [tilespmem:s21], [sflag:$0x2], $0x10000, $0x38;
	[tilespmem:$0x10080] =	vst v63  }
0x15e: {  	_ =	swait.ge [sflag:s20], $0x10000  }
0x15f: {  	[sflag:s20] =	ssyncset.done $0x0  }
0x160: {  	s1 =	rddreg [dreg:$0xb];
	[sflag:s20] =	ssyncadd.s32 $0xFFFF0000  }
0x161: {  	[tilespmem:s3], [sflag:$0x2] =	stream.linear.gather [hbm4b:s1+s3], $0x10, $0x38;
	[tilespmem:$0x10080] =	vst v63  }
0x162: {  	_ =	swait.ge [sflag:s20], $0x10  }
0x163: {  	[sflag:s20] =	ssyncset.done $0x0  }
0x164: {  	[sflag:s20] =	ssyncadd.s32 $0xFFFFFFF0  }
0x165: {  	v3 =	vld [tilespmem:$0x0];
	_ =	sdelay $0x4  }
0x166: {  	v60 =	vshll.u32 v3, $0x5  }
0x167: {  	v3 =	vand.u32 $0x7, v3;
	v4 =	vand.u32 $0xFFFFFF00, v60  }
0x168: {  	v3 =	vor.u32 v3, v4  }
0x169: {  	v4 =	vperm.xlane v3, v0;
	_ =	sdelay $0x1  }
0x16a: {  	v4 =	vadd.s32 v1, v4;
	_ =	sdelay $0x4  }
0x16b: {  	[tilespmem:s21], [sflag:$0x1] =	stream.indirect_vreg.gather [hbm4b:s2+s3], $0x80, v4, vm0, $0xb8;
	[tilespmem:$0x10080] =	vst v63  }
0x16c: {  	s1 =	simm.s32 $0x880  }
0x16d: {  	[tilespmem:s1], [sflag:$0x1] =	stream.indirect_vreg.gather [hbm4b:s4+s3], $0x80, v4, vm0, $0xb8;
	[tilespmem:$0x10080] =	vst v63  }
0x16e: {  	s1 =	simm.s32 $0x1080  }
0x16f: {  	[tilespmem:s1], [sflag:$0x1] =	stream.indirect_vreg.gather [hbm4b:s5+s3], $0x80, v4, vm0, $0xb8;
	[tilespmem:$0x10080] =	vst v63  }
0x170: {  	s1 =	simm.s32 $0x1880  }
0x171: {  	[tilespmem:s1], [sflag:$0x1] =	stream.indirect_vreg.gather [hbm4b:s6+s3], $0x80, v4, vm0, $0xb8;
	[tilespmem:$0x10080] =	vst v63  }
0x172: {  	s1 =	simm.s32 $0x2080  }
0x173: {  	[tilespmem:s1], [sflag:$0x1] =	stream.indirect_vreg.gather [hbm4b:s7+s3], $0x80, v4, vm0, $0xb8;
	[tilespmem:$0x10080] =	vst v63  }
0x174: {  	s1 =	simm.s32 $0x2880  }
0x175: {  	[tilespmem:s1], [sflag:$0x1] =	stream.indirect_vreg.gather [hbm4b:s8+s3], $0x80, v4, vm0, $0xb8;
	[tilespmem:$0x10080] =	vst v63  }
0x176: {  	s1 =	simm.s32 $0x3080  }
0x177: {  	[tilespmem:s1], [sflag:$0x1] =	stream.indirect_vreg.gather [hbm4b:s9+s3], $0x80, v4, vm0, $0xb8;
	[tilespmem:$0x10080] =	vst v63  }
0x178: {  	s1 =	simm.s32 $0x3880  }
0x179: {  	[tilespmem:s1], [sflag:$0x1] =	stream.indirect_vreg.gather [hbm4b:s10+s3], $0x80, v4, vm0, $0xb8;
	[tilespmem:$0x10080] =	vst v63  }
0x17a: {  	s1 =	simm.s32 $0x4080  }
0x17b: {  	[tilespmem:s1], [sflag:$0x1] =	stream.indirect_vreg.gather [hbm4b:s11+s3], $0x80, v4, vm0, $0xb8;
	[tilespmem:$0x10080] =	vst v63  }
0x17c: {  	s1 =	simm.s32 $0x4880  }
0x17d: {  	[tilespmem:s1], [sflag:$0x1] =	stream.indirect_vreg.gather [hbm4b:s12+s3], $0x80, v4, vm0, $0xb8;
	[tilespmem:$0x10080] =	vst v63  }
0x17e: {  	s25 =	simm.s32 $0x5080  }
0x17f: {  	[tilespmem:s25], [sflag:$0x1] =	stream.indirect_vreg.gather [hbm4b:s13+s3], $0x80, v4, vm0, $0xb8;
	[tilespmem:$0x10080] =	vst v63  }
0x180: {  	s26 =	simm.s32 $0x5880  }
0x181: {  	[tilespmem:s26], [sflag:$0x1] =	stream.indirect_vreg.gather [hbm4b:s14+s3], $0x80, v4, vm0, $0xb8;
	[tilespmem:$0x10080] =	vst v63  }
0x182: {  	s1 =	simm.s32 $0x6080  }
0x183: {  	[tilespmem:s1], [sflag:$0x1] =	stream.indirect_vreg.gather [hbm4b:s15+s3], $0x80, v4, vm0, $0xb8;
	[tilespmem:$0x10080] =	vst v63  }
0x184: {  	v3 =	vperm.xlane v3, v2;
	s1 =	simm.s32 $0x6880  }
0x185: {  	[tilespmem:s1], [sflag:$0x1] =	stream.indirect_vreg.gather [hbm4b:s16+s3], $0x80, v4, vm0, $0xb8;
	[tilespmem:$0x10080] =	vst v63  }
0x186: {  	v3 =	vadd.s32 v1, v3;
	s1 =	simm.s32 $0x7080  }
0x187: {  	[tilespmem:s1], [sflag:$0x1] =	stream.indirect_vreg.gather [hbm4b:s17+s3], $0x80, v4, vm0, $0xb8;
	[tilespmem:$0x10080] =	vst v63  }
0x188: {  	s22 =	simm.s32 $0x7880  }
0x189: {  	[tilespmem:s22], [sflag:$0x1] =	stream.indirect_vreg.gather [hbm4b:s18+s3], $0x80, v4, vm0, $0xb8;
	[tilespmem:$0x10080] =	vst v63  }
0x18a: {  	s23 =	simm.s32 $0x8080  }
0x18b: {  	[tilespmem:s23], [sflag:$0x1] =	stream.indirect_vreg.gather [hbm4b:s2+s3], $0x80, v3, vm0, $0xb8;
	[tilespmem:$0x10080] =	vst v63  }
0x18c: {  	s28 =	simm.s32 $0x8880  }
0x18d: {  	[tilespmem:s28], [sflag:$0x1] =	stream.indirect_vreg.gather [hbm4b:s4+s3], $0x80, v3, vm0, $0xb8;
	[tilespmem:$0x10080] =	vst v63  }
0x18e: {  	s29 =	simm.s32 $0x9080  }
0x18f: {  	[tilespmem:s29], [sflag:$0x1] =	stream.indirect_vreg.gather [hbm4b:s5+s3], $0x80, v3, vm0, $0xb8;
	[tilespmem:$0x10080] =	vst v63  }
0x190: {  	s30 =	simm.s32 $0x9880  }
0x191: {  	[tilespmem:s30], [sflag:$0x1] =	stream.indirect_vreg.gather [hbm4b:s6+s3], $0x80, v3, vm0, $0xb8;
	[tilespmem:$0x10080] =	vst v63  }
0x192: {  	s31 =	simm.s32 $0xA080  }
0x193: {  	[tilespmem:s31], [sflag:$0x1] =	stream.indirect_vreg.gather [hbm4b:s7+s3], $0x80, v3, vm0, $0xb8;
	[tilespmem:$0x10080] =	vst v63  }
0x194: {  	s1 =	simm.s32 $0xA880  }
0x195: {  	[tilespmem:s1], [sflag:$0x1] =	stream.indirect_vreg.gather [hbm4b:s8+s3], $0x80, v3, vm0, $0xb8;
	[tilespmem:$0x10080] =	vst v63  }
0x196: {  	s1 =	simm.s32 $0xB080  }
0x197: {  	[tilespmem:s1], [sflag:$0x1] =	stream.indirect_vreg.gather [hbm4b:s9+s3], $0x80, v3, vm0, $0xb8;
	[tilespmem:$0x10080] =	vst v63  }
0x198: {  	s1 =	simm.s32 $0xB880  }
0x199: {  	[tilespmem:s1], [sflag:$0x1] =	stream.indirect_vreg.gather [hbm4b:s10+s3], $0x80, v3, vm0, $0xb8;
	[tilespmem:$0x10080] =	vst v63  }
0x19a: {  	s1 =	simm.s32 $0xC080  }
0x19b: {  	[tilespmem:s1], [sflag:$0x1] =	stream.indirect_vreg.gather [hbm4b:s11+s3], $0x80, v3, vm0, $0xb8;
	[tilespmem:$0x10080] =	vst v63  }
0x19c: {  	s1 =	simm.s32 $0xC880  }
0x19d: {  	[tilespmem:s1], [sflag:$0x1] =	stream.indirect_vreg.gather [hbm4b:s12+s3], $0x80, v3, vm0, $0xb8;
	[tilespmem:$0x10080] =	vst v63  }
0x19e: {  	s1 =	simm.s32 $0xD080  }
0x19f: {  	[tilespmem:s1], [sflag:$0x1] =	stream.indirect_vreg.gather [hbm4b:s13+s3], $0x80, v3, vm0, $0xb8;
	[tilespmem:$0x10080] =	vst v63  }
0x1a0: {  	s1 =	simm.s32 $0xD880  }
0x1a1: {  	[tilespmem:s1], [sflag:$0x1] =	stream.indirect_vreg.gather [hbm4b:s14+s3], $0x80, v3, vm0, $0xb8;
	[tilespmem:$0x10080] =	vst v63  }
0x1a2: {  	s1 =	simm.s32 $0xE080  }
0x1a3: {  	[tilespmem:s1], [sflag:$0x1] =	stream.indirect_vreg.gather [hbm4b:s15+s3], $0x80, v3, vm0, $0xb8;
	[tilespmem:$0x10080] =	vst v63  }
0x1a4: {  	s1 =	simm.s32 $0xE880  }
0x1a5: {  	[tilespmem:s1], [sflag:$0x1] =	stream.indirect_vreg.gather [hbm4b:s16+s3], $0x80, v3, vm0, $0xb8;
	[tilespmem:$0x10080] =	vst v63  }
0x1a6: {  	s1 =	simm.s32 $0xF080  }
0x1a7: {  	[tilespmem:s1], [sflag:$0x1] =	stream.indirect_vreg.gather [hbm4b:s17+s3], $0x80, v3, vm0, $0xb8;
	[tilespmem:$0x10080] =	vst v63  }
0x1a8: {  	s24 =	simm.s32 $0xF880  }
0x1a9: {  	[tilespmem:s24], [sflag:$0x1] =	stream.indirect_vreg.gather [hbm4b:s18+s3], $0x80, v3, vm0, $0xb8;
	[tilespmem:$0x10080] =	vst v63  }
0x1aa: {  	_ =	swait.ge [sflag:s0], $0x10000  }
0x1ab: {  	[sflag:s0] =	ssyncset.done $0x0  }
0x1ac: {  	s1 =	rddreg [dreg:$0xc];
	[sflag:s0] =	ssyncadd.s32 $0xFFFF0000  }
0x1ad: {  	[hbm4b:s1+s3] =	stream.linear.scatter [tilespmem:s21], [sflag:$0x2], $0x10000, $0x38;
	[tilespmem:$0x10080] =	vst v63  }
0x1ae: {  	_ =	swait.ge [sflag:s20], $0x10000  }
0x1af: {  	[sflag:s20] =	ssyncset.done $0x0  }
0x1b0: {  	s1 =	rddreg [dreg:$0xd];
	[sflag:s20] =	ssyncadd.s32 $0xFFFF0000  }
0x1b1: {  	[tilespmem:s3], [sflag:$0x2] =	stream.linear.gather [hbm4b:s1+s3], $0x10, $0x38;
	[tilespmem:$0x10080] =	vst v63  }
0x1b2: {  	_ =	swait.ge [sflag:s20], $0x10  }
0x1b3: {  	[sflag:s20] =	ssyncset.done $0x0  }
0x1b4: {  	[sflag:s20] =	ssyncadd.s32 $0xFFFFFFF0  }
0x1b5: {  	v3 =	vld [tilespmem:$0x0];
	_ =	sdelay $0x4  }
0x1b6: {  	v61 =	vshll.u32 v3, $0x5  }
0x1b7: {  	v3 =	vand.u32 $0x7, v3;
	v4 =	vand.u32 $0xFFFFFF00, v61  }
0x1b8: {  	v3 =	vor.u32 v3, v4  }
0x1b9: {  	v4 =	vperm.xlane v3, v0;
	_ =	sdelay $0x1  }
0x1ba: {  	v4 =	vadd.s32 v1, v4;
	_ =	sdelay $0x4  }
0x1bb: {  	[tilespmem:s21], [sflag:$0x1] =	stream.indirect_vreg.gather [hbm4b:s2+s3], $0x80, v4, vm0, $0xb8;
	[tilespmem:$0x10080] =	vst v63  }
0x1bc: {  	s1 =	simm.s32 $0x880  }
0x1bd: {  	[tilespmem:s1], [sflag:$0x1] =	stream.indirect_vreg.gather [hbm4b:s4+s3], $0x80, v4, vm0, $0xb8;
	[tilespmem:$0x10080] =	vst v63  }
0x1be: {  	s1 =	simm.s32 $0x1080  }
0x1bf: {  	[tilespmem:s1], [sflag:$0x1] =	stream.indirect_vreg.gather [hbm4b:s5+s3], $0x80, v4, vm0, $0xb8;
	[tilespmem:$0x10080] =	vst v63  }
0x1c0: {  	s1 =	simm.s32 $0x1880  }
0x1c1: {  	[tilespmem:s1], [sflag:$0x1] =	stream.indirect_vreg.gather [hbm4b:s6+s3], $0x80, v4, vm0, $0xb8;
	[tilespmem:$0x10080] =	vst v63  }
0x1c2: {  	s1 =	simm.s32 $0x2080  }
0x1c3: {  	[tilespmem:s1], [sflag:$0x1] =	stream.indirect_vreg.gather [hbm4b:s7+s3], $0x80, v4, vm0, $0xb8;
	[tilespmem:$0x10080] =	vst v63  }
0x1c4: {  	s1 =	simm.s32 $0x2880  }
0x1c5: {  	[tilespmem:s1], [sflag:$0x1] =	stream.indirect_vreg.gather [hbm4b:s8+s3], $0x80, v4, vm0, $0xb8;
	[tilespmem:$0x10080] =	vst v63  }
0x1c6: {  	s1 =	simm.s32 $0x3080  }
0x1c7: {  	[tilespmem:s1], [sflag:$0x1] =	stream.indirect_vreg.gather [hbm4b:s9+s3], $0x80, v4, vm0, $0xb8;
	[tilespmem:$0x10080] =	vst v63  }
0x1c8: {  	s1 =	simm.s32 $0x3880  }
0x1c9: {  	[tilespmem:s1], [sflag:$0x1] =	stream.indirect_vreg.gather [hbm4b:s10+s3], $0x80, v4, vm0, $0xb8;
	[tilespmem:$0x10080] =	vst v63  }
0x1ca: {  	s1 =	simm.s32 $0x4080  }
0x1cb: {  	[tilespmem:s1], [sflag:$0x1] =	stream.indirect_vreg.gather [hbm4b:s11+s3], $0x80, v4, vm0, $0xb8;
	[tilespmem:$0x10080] =	vst v63  }
0x1cc: {  	s1 =	simm.s32 $0x4880  }
0x1cd: {  	[tilespmem:s1], [sflag:$0x1] =	stream.indirect_vreg.gather [hbm4b:s12+s3], $0x80, v4, vm0, $0xb8;
	[tilespmem:$0x10080] =	vst v63  }
0x1ce: {  	s25 =	simm.s32 $0x5080  }
0x1cf: {  	[tilespmem:s25], [sflag:$0x1] =	stream.indirect_vreg.gather [hbm4b:s13+s3], $0x80, v4, vm0, $0xb8;
	[tilespmem:$0x10080] =	vst v63  }
0x1d0: {  	s26 =	simm.s32 $0x5880  }
0x1d1: {  	[tilespmem:s26], [sflag:$0x1] =	stream.indirect_vreg.gather [hbm4b:s14+s3], $0x80, v4, vm0, $0xb8;
	[tilespmem:$0x10080] =	vst v63  }
0x1d2: {  	s1 =	simm.s32 $0x6080  }
0x1d3: {  	[tilespmem:s1], [sflag:$0x1] =	stream.indirect_vreg.gather [hbm4b:s15+s3], $0x80, v4, vm0, $0xb8;
	[tilespmem:$0x10080] =	vst v63  }
0x1d4: {  	v3 =	vperm.xlane v3, v2;
	s1 =	simm.s32 $0x6880  }
0x1d5: {  	[tilespmem:s1], [sflag:$0x1] =	stream.indirect_vreg.gather [hbm4b:s16+s3], $0x80, v4, vm0, $0xb8;
	[tilespmem:$0x10080] =	vst v63  }
0x1d6: {  	v3 =	vadd.s32 v1, v3;
	s1 =	simm.s32 $0x7080  }
0x1d7: {  	[tilespmem:s1], [sflag:$0x1] =	stream.indirect_vreg.gather [hbm4b:s17+s3], $0x80, v4, vm0, $0xb8;
	[tilespmem:$0x10080] =	vst v63  }
0x1d8: {  	s22 =	simm.s32 $0x7880  }
0x1d9: {  	[tilespmem:s22], [sflag:$0x1] =	stream.indirect_vreg.gather [hbm4b:s18+s3], $0x80, v4, vm0, $0xb8;
	[tilespmem:$0x10080] =	vst v63  }
0x1da: {  	s23 =	simm.s32 $0x8080  }
0x1db: {  	[tilespmem:s23], [sflag:$0x1] =	stream.indirect_vreg.gather [hbm4b:s2+s3], $0x80, v3, vm0, $0xb8;
	[tilespmem:$0x10080] =	vst v63  }
0x1dc: {  	s28 =	simm.s32 $0x8880  }
0x1dd: {  	[tilespmem:s28], [sflag:$0x1] =	stream.indirect_vreg.gather [hbm4b:s4+s3], $0x80, v3, vm0, $0xb8;
	[tilespmem:$0x10080] =	vst v63  }
0x1de: {  	s29 =	simm.s32 $0x9080  }
0x1df: {  	[tilespmem:s29], [sflag:$0x1] =	stream.indirect_vreg.gather [hbm4b:s5+s3], $0x80, v3, vm0, $0xb8;
	[tilespmem:$0x10080] =	vst v63  }
0x1e0: {  	s30 =	simm.s32 $0x9880  }
0x1e1: {  	[tilespmem:s30], [sflag:$0x1] =	stream.indirect_vreg.gather [hbm4b:s6+s3], $0x80, v3, vm0, $0xb8;
	[tilespmem:$0x10080] =	vst v63  }
0x1e2: {  	s31 =	simm.s32 $0xA080  }
0x1e3: {  	[tilespmem:s31], [sflag:$0x1] =	stream.indirect_vreg.gather [hbm4b:s7+s3], $0x80, v3, vm0, $0xb8;
	[tilespmem:$0x10080] =	vst v63  }
0x1e4: {  	s29 =	simm.s32 $0xA880  }
0x1e5: {  	[tilespmem:s29], [sflag:$0x1] =	stream.indirect_vreg.gather [hbm4b:s8+s3], $0x80, v3, vm0, $0xb8;
	[tilespmem:$0x10080] =	vst v63  }
0x1e6: {  	s29 =	simm.s32 $0xB080  }
0x1e7: {  	[tilespmem:s29], [sflag:$0x1] =	stream.indirect_vreg.gather [hbm4b:s9+s3], $0x80, v3, vm0, $0xb8;
	[tilespmem:$0x10080] =	vst v63  }
0x1e8: {  	s29 =	simm.s32 $0xB880  }
0x1e9: {  	[tilespmem:s29], [sflag:$0x1] =	stream.indirect_vreg.gather [hbm4b:s10+s3], $0x80, v3, vm0, $0xb8;
	[tilespmem:$0x10080] =	vst v63  }
0x1ea: {  	s29 =	simm.s32 $0xC080  }
0x1eb: {  	[tilespmem:s29], [sflag:$0x1] =	stream.indirect_vreg.gather [hbm4b:s11+s3], $0x80, v3, vm0, $0xb8;
	[tilespmem:$0x10080] =	vst v63  }
0x1ec: {  	s29 =	simm.s32 $0xC880  }
0x1ed: {  	[tilespmem:s29], [sflag:$0x1] =	stream.indirect_vreg.gather [hbm4b:s12+s3], $0x80, v3, vm0, $0xb8;
	[tilespmem:$0x10080] =	vst v63  }
0x1ee: {  	s29 =	simm.s32 $0xD080  }
0x1ef: {  	[tilespmem:s29], [sflag:$0x1] =	stream.indirect_vreg.gather [hbm4b:s13+s3], $0x80, v3, vm0, $0xb8;
	[tilespmem:$0x10080] =	vst v63  }
0x1f0: {  	s29 =	simm.s32 $0xD880  }
0x1f1: {  	[tilespmem:s29], [sflag:$0x1] =	stream.indirect_vreg.gather [hbm4b:s14+s3], $0x80, v3, vm0, $0xb8;
	[tilespmem:$0x10080] =	vst v63  }
0x1f2: {  	s29 =	simm.s32 $0xE080  }
0x1f3: {  	[tilespmem:s29], [sflag:$0x1] =	stream.indirect_vreg.gather [hbm4b:s15+s3], $0x80, v3, vm0, $0xb8;
	[tilespmem:$0x10080] =	vst v63  }
0x1f4: {  	s29 =	simm.s32 $0xE880  }
0x1f5: {  	[tilespmem:s29], [sflag:$0x1] =	stream.indirect_vreg.gather [hbm4b:s16+s3], $0x80, v3, vm0, $0xb8;
	[tilespmem:$0x10080] =	vst v63  }
0x1f6: {  	s29 =	simm.s32 $0xF080  }
0x1f7: {  	[tilespmem:s29], [sflag:$0x1] =	stream.indirect_vreg.gather [hbm4b:s17+s3], $0x80, v3, vm0, $0xb8;
	[tilespmem:$0x10080] =	vst v63  }
0x1f8: {  	s24 =	simm.s32 $0xF880  }
0x1f9: {  	[tilespmem:s24], [sflag:$0x1] =	stream.indirect_vreg.gather [hbm4b:s18+s3], $0x80, v3, vm0, $0xb8;
	[tilespmem:$0x10080] =	vst v63  }
0x1fa: {  	_ =	swait.ge [sflag:s0], $0x10000  }
0x1fb: {  	[sflag:s0] =	ssyncset.done $0x0  }
0x1fc: {  	s24 =	rddreg [dreg:$0xe];
	[sflag:s0] =	ssyncadd.s32 $0xFFFF0000  }
0x1fd: {  	[hbm4b:s24+s3] =	stream.linear.scatter [tilespmem:s21], [sflag:$0x2], $0x10000, $0x38;
	[tilespmem:$0x10080] =	vst v63  }
0x1fe: {  	_ =	swait.ge [sflag:s20], $0x10000  }
0x1ff: {  	[sflag:s20] =	ssyncset.done $0x0  }
0x200: {  	s29 =	rddreg [dreg:$0xf];
	[sflag:s20] =	ssyncadd.s32 $0xFFFF0000  }
0x201: {  	[tilespmem:s3], [sflag:$0x2] =	stream.linear.gather [hbm4b:s29+s3], $0x10, $0x38;
	[tilespmem:$0x10080] =	vst v63  }
0x202: {  	_ =	swait.ge [sflag:s20], $0x10  }
0x203: {  	[sflag:s20] =	ssyncset.done $0x0  }
0x204: {  	[sflag:s20] =	ssyncadd.s32 $0xFFFFFFF0  }
0x205: {  	v3 =	vld [tilespmem:$0x0];
	_ =	sdelay $0x4  }
0x206: {  	v62 =	vshll.u32 v3, $0x5  }
0x207: {  	v3 =	vand.u32 $0x7, v3;
	v4 =	vand.u32 $0xFFFFFF00, v62  }
0x208: {  	v3 =	vor.u32 v3, v4  }
0x209: {  	v4 =	vperm.xlane v3, v0;
	_ =	sdelay $0x1  }
0x20a: {  	v4 =	vadd.s32 v1, v4;
	_ =	sdelay $0x4  }
0x20b: {  	[tilespmem:s21], [sflag:$0x1] =	stream.indirect_vreg.gather [hbm4b:s2+s3], $0x80, v4, vm0, $0xb8;
	[tilespmem:$0x10080] =	vst v63  }
0x20c: {  	s24 =	simm.s32 $0x880  }
0x20d: {  	[tilespmem:s24], [sflag:$0x1] =	stream.indirect_vreg.gather [hbm4b:s4+s3], $0x80, v4, vm0, $0xb8;
	[tilespmem:$0x10080] =	vst v63  }
0x20e: {  	s29 =	simm.s32 $0x1080  }
0x20f: {  	[tilespmem:s29], [sflag:$0x1] =	stream.indirect_vreg.gather [hbm4b:s5+s3], $0x80, v4, vm0, $0xb8;
	[tilespmem:$0x10080] =	vst v63  }
0x210: {  	s24 =	simm.s32 $0x1880  }
0x211: {  	[tilespmem:s24], [sflag:$0x1] =	stream.indirect_vreg.gather [hbm4b:s6+s3], $0x80, v4, vm0, $0xb8;
	[tilespmem:$0x10080] =	vst v63  }
0x212: {  	s29 =	simm.s32 $0x2080  }
0x213: {  	[tilespmem:s29], [sflag:$0x1] =	stream.indirect_vreg.gather [hbm4b:s7+s3], $0x80, v4, vm0, $0xb8;
	[tilespmem:$0x10080] =	vst v63  }
0x214: {  	s24 =	simm.s32 $0x2880  }
0x215: {  	[tilespmem:s24], [sflag:$0x1] =	stream.indirect_vreg.gather [hbm4b:s8+s3], $0x80, v4, vm0, $0xb8;
	[tilespmem:$0x10080] =	vst v63  }
0x216: {  	s29 =	simm.s32 $0x3080  }
0x217: {  	[tilespmem:s29], [sflag:$0x1] =	stream.indirect_vreg.gather [hbm4b:s9+s3], $0x80, v4, vm0, $0xb8;
	[tilespmem:$0x10080] =	vst v63  }
0x218: {  	s24 =	simm.s32 $0x3880  }
0x219: {  	[tilespmem:s24], [sflag:$0x1] =	stream.indirect_vreg.gather [hbm4b:s10+s3], $0x80, v4, vm0, $0xb8;
	[tilespmem:$0x10080] =	vst v63  }
0x21a: {  	s29 =	simm.s32 $0x4080  }
0x21b: {  	[tilespmem:s29], [sflag:$0x1] =	stream.indirect_vreg.gather [hbm4b:s11+s3], $0x80, v4, vm0, $0xb8;
	[tilespmem:$0x10080] =	vst v63  }
0x21c: {  	s24 =	simm.s32 $0x4880  }
0x21d: {  	[tilespmem:s24], [sflag:$0x1] =	stream.indirect_vreg.gather [hbm4b:s12+s3], $0x80, v4, vm0, $0xb8;
	[tilespmem:$0x10080] =	vst v63  }
0x21e: {  	s25 =	simm.s32 $0x5080  }
0x21f: {  	[tilespmem:s25], [sflag:$0x1] =	stream.indirect_vreg.gather [hbm4b:s13+s3], $0x80, v4, vm0, $0xb8;
	[tilespmem:$0x10080] =	vst v63  }
0x220: {  	s26 =	simm.s32 $0x5880  }
0x221: {  	[tilespmem:s26], [sflag:$0x1] =	stream.indirect_vreg.gather [hbm4b:s14+s3], $0x80, v4, vm0, $0xb8;
	[tilespmem:$0x10080] =	vst v63  }
0x222: {  	s26 =	simm.s32 $0x6080  }
0x223: {  	[tilespmem:s26], [sflag:$0x1] =	stream.indirect_vreg.gather [hbm4b:s15+s3], $0x80, v4, vm0, $0xb8;
	[tilespmem:$0x10080] =	vst v63  }
0x224: {  	v3 =	vperm.xlane v3, v2;
	s29 =	simm.s32 $0x6880  }
0x225: {  	[tilespmem:s29], [sflag:$0x1] =	stream.indirect_vreg.gather [hbm4b:s16+s3], $0x80, v4, vm0, $0xb8;
	[tilespmem:$0x10080] =	vst v63  }
0x226: {  	v3 =	vadd.s32 v1, v3;
	s26 =	simm.s32 $0x7080  }
0x227: {  	[tilespmem:s26], [sflag:$0x1] =	stream.indirect_vreg.gather [hbm4b:s17+s3], $0x80, v4, vm0, $0xb8;
	[tilespmem:$0x10080] =	vst v63  }
0x228: {  	s22 =	simm.s32 $0x7880  }
0x229: {  	[tilespmem:s22], [sflag:$0x1] =	stream.indirect_vreg.gather [hbm4b:s18+s3], $0x80, v4, vm0, $0xb8;
	[tilespmem:$0x10080] =	vst v63  }
0x22a: {  	s23 =	simm.s32 $0x8080  }
0x22b: {  	[tilespmem:s23], [sflag:$0x1] =	stream.indirect_vreg.gather [hbm4b:s2+s3], $0x80, v3, vm0, $0xb8;
	[tilespmem:$0x10080] =	vst v63  }
0x22c: {  	s28 =	simm.s32 $0x8880  }
0x22d: {  	[tilespmem:s28], [sflag:$0x1] =	stream.indirect_vreg.gather [hbm4b:s4+s3], $0x80, v3, vm0, $0xb8;
	[tilespmem:$0x10080] =	vst v63  }
0x22e: {  	s28 =	simm.s32 $0x9080  }
0x22f: {  	[tilespmem:s28], [sflag:$0x1] =	stream.indirect_vreg.gather [hbm4b:s5+s3], $0x80, v3, vm0, $0xb8;
	[tilespmem:$0x10080] =	vst v63  }
0x230: {  	s30 =	simm.s32 $0x9880  }
0x231: {  	[tilespmem:s30], [sflag:$0x1] =	stream.indirect_vreg.gather [hbm4b:s6+s3], $0x80, v3, vm0, $0xb8;
	[tilespmem:$0x10080] =	vst v63  }
0x232: {  	s31 =	simm.s32 $0xA080  }
0x233: {  	[tilespmem:s31], [sflag:$0x1] =	stream.indirect_vreg.gather [hbm4b:s7+s3], $0x80, v3, vm0, $0xb8;
	[tilespmem:$0x10080] =	vst v63  }
0x234: {  	s1 =	simm.s32 $0xA880  }
0x235: {  	[tilespmem:s1], [sflag:$0x1] =	stream.indirect_vreg.gather [hbm4b:s8+s3], $0x80, v3, vm0, $0xb8;
	[tilespmem:$0x10080] =	vst v63  }
0x236: {  	s1 =	simm.s32 $0xB080  }
0x237: {  	[tilespmem:s1], [sflag:$0x1] =	stream.indirect_vreg.gather [hbm4b:s9+s3], $0x80, v3, vm0, $0xb8;
	[tilespmem:$0x10080] =	vst v63  }
0x238: {  	s1 =	simm.s32 $0xB880  }
0x239: {  	[tilespmem:s1], [sflag:$0x1] =	stream.indirect_vreg.gather [hbm4b:s10+s3], $0x80, v3, vm0, $0xb8;
	[tilespmem:$0x10080] =	vst v63  }
0x23a: {  	s1 =	simm.s32 $0xC080  }
0x23b: {  	[tilespmem:s1], [sflag:$0x1] =	stream.indirect_vreg.gather [hbm4b:s11+s3], $0x80, v3, vm0, $0xb8;
	[tilespmem:$0x10080] =	vst v63  }
0x23c: {  	s1 =	simm.s32 $0xC880  }
0x23d: {  	[tilespmem:s1], [sflag:$0x1] =	stream.indirect_vreg.gather [hbm4b:s12+s3], $0x80, v3, vm0, $0xb8;
	[tilespmem:$0x10080] =	vst v63  }
0x23e: {  	s1 =	simm.s32 $0xD080  }
0x23f: {  	[tilespmem:s1], [sflag:$0x1] =	stream.indirect_vreg.gather [hbm4b:s13+s3], $0x80, v3, vm0, $0xb8;
	[tilespmem:$0x10080] =	vst v63  }
0x240: {  	s1 =	simm.s32 $0xD880  }
0x241: {  	[tilespmem:s1], [sflag:$0x1] =	stream.indirect_vreg.gather [hbm4b:s14+s3], $0x80, v3, vm0, $0xb8;
	[tilespmem:$0x10080] =	vst v63  }
0x242: {  	s1 =	simm.s32 $0xE080  }
0x243: {  	[tilespmem:s1], [sflag:$0x1] =	stream.indirect_vreg.gather [hbm4b:s15+s3], $0x80, v3, vm0, $0xb8;
	[tilespmem:$0x10080] =	vst v63  }
0x244: {  	s1 =	simm.s32 $0xE880  }
0x245: {  	[tilespmem:s1], [sflag:$0x1] =	stream.indirect_vreg.gather [hbm4b:s16+s3], $0x80, v3, vm0, $0xb8;
	[tilespmem:$0x10080] =	vst v63  }
0x246: {  	s1 =	simm.s32 $0xF080  }
0x247: {  	[tilespmem:s1], [sflag:$0x1] =	stream.indirect_vreg.gather [hbm4b:s17+s3], $0x80, v3, vm0, $0xb8;
	[tilespmem:$0x10080] =	vst v63  }
0x248: {  	s1 =	simm.s32 $0xF880  }
0x249: {  	[tilespmem:s1], [sflag:$0x1] =	stream.indirect_vreg.gather [hbm4b:s18+s3], $0x80, v3, vm0, $0xb8;
	[tilespmem:$0x10080] =	vst v63  }
0x24a: {  	_ =	swait.ge [sflag:s0], $0x10000  }
0x24b: {  	[sflag:s0] =	ssyncset.done $0x0  }
0x24c: {  	s1 =	rddreg [dreg:$0x10];
	[sflag:s0] =	ssyncadd.s32 $0xFFFF0000  }
0x24d: {  	[hbm4b:s1+s3] =	stream.linear.scatter [tilespmem:s21], [sflag:$0x2], $0x10000, $0x38;
	[tilespmem:$0x10080] =	vst v63  }
0x24e: {  	_ =	swait.ge [sflag:s20], $0x10000  }
0x24f: {  	[sflag:s20] =	ssyncset.done $0x0  }
0x250: {  	s1 =	rddreg [dreg:$0x11];
	[sflag:s20] =	ssyncadd.s32 $0xFFFF0000  }
0x251: {  	[tilespmem:s3], [sflag:$0x2] =	stream.linear.gather [hbm4b:s1+s3], $0x10, $0x38;
	[tilespmem:$0x10080] =	vst v63  }
0x252: {  	_ =	swait.ge [sflag:s20], $0x10  }
0x253: {  	[sflag:s20] =	ssyncset.done $0x0  }
0x254: {  	[sflag:s20] =	ssyncadd.s32 $0xFFFFFFF0  }
0x255: {  	v3 =	vld [tilespmem:$0x0];
	_ =	sdelay $0x4  }
0x256: {  	v63 =	vshll.u32 v3, $0x5  }
0x257: {  	v3 =	vand.u32 $0x7, v3;
	v4 =	vand.u32 $0xFFFFFF00, v63  }
0x258: {  	v3 =	vor.u32 v3, v4  }
0x259: {  	v4 =	vperm.xlane v3, v0;
	_ =	sdelay $0x1  }
0x25a: {  	v4 =	vadd.s32 v1, v4;
	_ =	sdelay $0x4  }
0x25b: {  	[tilespmem:s21], [sflag:$0x1] =	stream.indirect_vreg.gather [hbm4b:s2+s3], $0x80, v4, vm0, $0xb8;
	[tilespmem:$0x10080] =	vst v63  }
0x25c: {  	s1 =	simm.s32 $0x880  }
0x25d: {  	[tilespmem:s1], [sflag:$0x1] =	stream.indirect_vreg.gather [hbm4b:s4+s3], $0x80, v4, vm0, $0xb8;
	[tilespmem:$0x10080] =	vst v63  }
0x25e: {  	s1 =	simm.s32 $0x1080  }
0x25f: {  	[tilespmem:s1], [sflag:$0x1] =	stream.indirect_vreg.gather [hbm4b:s5+s3], $0x80, v4, vm0, $0xb8;
	[tilespmem:$0x10080] =	vst v63  }
0x260: {  	s1 =	simm.s32 $0x1880  }
0x261: {  	[tilespmem:s1], [sflag:$0x1] =	stream.indirect_vreg.gather [hbm4b:s6+s3], $0x80, v4, vm0, $0xb8;
	[tilespmem:$0x10080] =	vst v63  }
0x262: {  	s1 =	simm.s32 $0x2080  }
0x263: {  	[tilespmem:s1], [sflag:$0x1] =	stream.indirect_vreg.gather [hbm4b:s7+s3], $0x80, v4, vm0, $0xb8;
	[tilespmem:$0x10080] =	vst v63  }
0x264: {  	s1 =	simm.s32 $0x2880  }
0x265: {  	[tilespmem:s1], [sflag:$0x1] =	stream.indirect_vreg.gather [hbm4b:s8+s3], $0x80, v4, vm0, $0xb8;
	[tilespmem:$0x10080] =	vst v63  }
0x266: {  	s1 =	simm.s32 $0x3080  }
0x267: {  	[tilespmem:s1], [sflag:$0x1] =	stream.indirect_vreg.gather [hbm4b:s9+s3], $0x80, v4, vm0, $0xb8;
	[tilespmem:$0x10080] =	vst v63  }
0x268: {  	s1 =	simm.s32 $0x3880  }
0x269: {  	[tilespmem:s1], [sflag:$0x1] =	stream.indirect_vreg.gather [hbm4b:s10+s3], $0x80, v4, vm0, $0xb8;
	[tilespmem:$0x10080] =	vst v63  }
0x26a: {  	s1 =	simm.s32 $0x4080  }
0x26b: {  	[tilespmem:s1], [sflag:$0x1] =	stream.indirect_vreg.gather [hbm4b:s11+s3], $0x80, v4, vm0, $0xb8;
	[tilespmem:$0x10080] =	vst v63  }
0x26c: {  	s1 =	simm.s32 $0x4880  }
0x26d: {  	[tilespmem:s1], [sflag:$0x1] =	stream.indirect_vreg.gather [hbm4b:s12+s3], $0x80, v4, vm0, $0xb8;
	[tilespmem:$0x10080] =	vst v63  }
0x26e: {  	s24 =	simm.s32 $0x5080  }
0x26f: {  	[tilespmem:s24], [sflag:$0x1] =	stream.indirect_vreg.gather [hbm4b:s13+s3], $0x80, v4, vm0, $0xb8;
	[tilespmem:$0x10080] =	vst v63  }
0x270: {  	s25 =	simm.s32 $0x5880  }
0x271: {  	[tilespmem:s25], [sflag:$0x1] =	stream.indirect_vreg.gather [hbm4b:s14+s3], $0x80, v4, vm0, $0xb8;
	[tilespmem:$0x10080] =	vst v63  }
0x272: {  	s24 =	simm.s32 $0x6080  }
0x273: {  	[tilespmem:s24], [sflag:$0x1] =	stream.indirect_vreg.gather [hbm4b:s15+s3], $0x80, v4, vm0, $0xb8;
	[tilespmem:$0x10080] =	vst v63  }
0x274: {  	v3 =	vperm.xlane v3, v2;
	s25 =	simm.s32 $0x6880  }
0x275: {  	[tilespmem:s25], [sflag:$0x1] =	stream.indirect_vreg.gather [hbm4b:s16+s3], $0x80, v4, vm0, $0xb8;
	[tilespmem:$0x10080] =	vst v63  }
0x276: {  	s29 =	simm.s32 $0x7080;
	v3 =	vadd.s32 v1, v3  }
0x277: {  	[tilespmem:s29], [sflag:$0x1] =	stream.indirect_vreg.gather [hbm4b:s17+s3], $0x80, v4, vm0, $0xb8;
	[tilespmem:$0x10080] =	vst v63  }
0x278: {  	s22 =	simm.s32 $0x7880  }
0x279: {  	[tilespmem:s22], [sflag:$0x1] =	stream.indirect_vreg.gather [hbm4b:s18+s3], $0x80, v4, vm0, $0xb8;
	[tilespmem:$0x10080] =	vst v63  }
0x27a: {  	s23 =	simm.s32 $0x8080  }
0x27b: {  	[tilespmem:s23], [sflag:$0x1] =	stream.indirect_vreg.gather [hbm4b:s2+s3], $0x80, v3, vm0, $0xb8;
	[tilespmem:$0x10080] =	vst v63  }
0x27c: {  	s26 =	simm.s32 $0x8880  }
0x27d: {  	[tilespmem:s26], [sflag:$0x1] =	stream.indirect_vreg.gather [hbm4b:s4+s3], $0x80, v3, vm0, $0xb8;
	[tilespmem:$0x10080] =	vst v63  }
0x27e: {  	s28 =	simm.s32 $0x9080  }
0x27f: {  	[tilespmem:s28], [sflag:$0x1] =	stream.indirect_vreg.gather [hbm4b:s5+s3], $0x80, v3, vm0, $0xb8;
	[tilespmem:$0x10080] =	vst v63  }
0x280: {  	s30 =	simm.s32 $0x9880  }
0x281: {  	[tilespmem:s30], [sflag:$0x1] =	stream.indirect_vreg.gather [hbm4b:s6+s3], $0x80, v3, vm0, $0xb8;
	[tilespmem:$0x10080] =	vst v63  }
0x282: {  	s31 =	simm.s32 $0xA080  }
0x283: {  	[tilespmem:s31], [sflag:$0x1] =	stream.indirect_vreg.gather [hbm4b:s7+s3], $0x80, v3, vm0, $0xb8;
	[tilespmem:$0x10080] =	vst v63  }
0x284: {  	s29 =	simm.s32 $0xA880  }
0x285: {  	[tilespmem:s29], [sflag:$0x1] =	stream.indirect_vreg.gather [hbm4b:s8+s3], $0x80, v3, vm0, $0xb8;
	[tilespmem:$0x10080] =	vst v63  }
0x286: {  	s30 =	simm.s32 $0xB080  }
0x287: {  	[tilespmem:s30], [sflag:$0x1] =	stream.indirect_vreg.gather [hbm4b:s9+s3], $0x80, v3, vm0, $0xb8;
	[tilespmem:$0x10080] =	vst v63  }
0x288: {  	s31 =	simm.s32 $0xB880  }
0x289: {  	[tilespmem:s31], [sflag:$0x1] =	stream.indirect_vreg.gather [hbm4b:s10+s3], $0x80, v3, vm0, $0xb8;
	[tilespmem:$0x10080] =	vst v63  }
0x28a: {  	s22 =	simm.s32 $0xC080  }
0x28b: {  	[tilespmem:s22], [sflag:$0x1] =	stream.indirect_vreg.gather [hbm4b:s11+s3], $0x80, v3, vm0, $0xb8;
	[tilespmem:$0x10080] =	vst v63  }
0x28c: {  	s23 =	simm.s32 $0xC880  }
0x28d: {  	[tilespmem:s23], [sflag:$0x1] =	stream.indirect_vreg.gather [hbm4b:s12+s3], $0x80, v3, vm0, $0xb8;
	[tilespmem:$0x10080] =	vst v63  }
0x28e: {  	s24 =	simm.s32 $0xD080  }
0x28f: {  	[tilespmem:s24], [sflag:$0x1] =	stream.indirect_vreg.gather [hbm4b:s13+s3], $0x80, v3, vm0, $0xb8;
	[tilespmem:$0x10080] =	vst v63  }
0x290: {  	s25 =	simm.s32 $0xD880  }
0x291: {  	[tilespmem:s25], [sflag:$0x1] =	stream.indirect_vreg.gather [hbm4b:s14+s3], $0x80, v3, vm0, $0xb8;
	[tilespmem:$0x10080] =	vst v63  }
0x292: {  	s26 =	simm.s32 $0xE080  }
0x293: {  	[tilespmem:s26], [sflag:$0x1] =	stream.indirect_vreg.gather [hbm4b:s15+s3], $0x80, v3, vm0, $0xb8;
	[tilespmem:$0x10080] =	vst v63  }
0x294: {  	s28 =	simm.s32 $0xE880  }
0x295: {  	[tilespmem:s28], [sflag:$0x1] =	stream.indirect_vreg.gather [hbm4b:s16+s3], $0x80, v3, vm0, $0xb8;
	[tilespmem:$0x10080] =	vst v63  }
0x296: {  	s29 =	simm.s32 $0xF080  }
0x297: {  	[tilespmem:s29], [sflag:$0x1] =	stream.indirect_vreg.gather [hbm4b:s17+s3], $0x80, v3, vm0, $0xb8;
	[tilespmem:$0x10080] =	vst v63  }
0x298: {  	s30 =	simm.s32 $0xF880  }
0x299: {  	[tilespmem:s30], [sflag:$0x1] =	stream.indirect_vreg.gather [hbm4b:s18+s3], $0x80, v3, vm0, $0xb8;
	[tilespmem:$0x10080] =	vst v63  }
0x29a: {  	_ =	swait.ge [sflag:s0], $0x10000  }
0x29b: {  	p0 =	sne.s32 s19, $0x1;
	[sflag:s0] =	ssyncset.done $0x0  }
.Ltmp0:
0x29c: {  	s31 =	rddreg [dreg:$0x12];
	[sflag:s0] =	ssyncadd.s32 $0xFFFF0000;
	(pc) =	sbr.rel @p0 .LBB2_1-.Ltmp0, $4  }
0x29d: {  	[hbm4b:s31+s3] =	stream.linear.scatter [tilespmem:s21], [sflag:$0x2], $0x10000, $0x38;
	[tilespmem:$0x10080] =	vst v63  }
0x29e: {  	_ =	swait.ge [sflag:s20], $0x10000  }
0x29f: {  	[sflag:s20] =	ssyncset.done $0x0  }
0x2a0: {  	s19 =	sadd.s32 $0xFFFFFFFF, s19;
	[sflag:s20] =	ssyncadd.s32 $0xFFFF0000  }
0x2a1: {  	_ =	sfence.sel $0x180000  }
0x2a2: {  	[bflag:$0x0] =	sbarrier.arrive $0xFFFF  }
0x2a3: {  	_ =	strace $0x90000047  }
0x2a4: {  	s0 =	stileid.u32;
	[bflag:$0x2] =	sbarrier.arrive $0xFFFF  }
0x2a5: {  	p0 =	sne.s32 s0, $0x0;
	s0 =	rddreg [dreg:$0x2]  }
0x2a6: {  	s0 =	sadd.s32 @!p0 $0x100000, s0  }
0x2a7: {  	[sflag:s0] =	ssyncadd.tile.s32 @!p0 $0x1;
	_ =	shalt  }
.Lfunc_end2:
_tile_overlayer_lowered:
.L_overlay_start_2:
0x2a8: {  	(tag) =	ssettag $0x2  }
0x2a9: {  	s0 =	rddreg [dreg:$0x0];
	s2 =	stileid.u32  }
0x2aa: {  	s1 =	rddreg [dreg:$0x1];
	p0 =	sne.s32 s2, $0x0  }
0x2ab: {  	s3 =	rddreg [dreg:$0x2];
	[bflag:$0x3] =	sbarrier.arrive $0xFFFF;
	s2 =	simm.s32 @!p0 $0x1C02  }
0x2ac: {  	[timem:s3], [sflag:s2] =	dma.local @!p0 [hbm:s0], s1  }
0x2ad: {  	s0 =	simm.s32 @!p0 $0x2  }
0x2ae: {  	_ =	swait.ge @!p0 [sflag:s0], s1  }
0x2af: {  	s1 =	ssub.s32 @!p0 $0x0, s1;
	[sflag:s0] =	ssyncset.done @!p0 $0x0  }
0x2b0: {  	[sflag:s0] =	ssyncadd.s32 @!p0 s1  }
0x2b1: {  	[bflag:$0x3] =	sbarrier.arrive $0xFFFF  }
0x2b2: {  	_ =	shalt  }

</sc_bundles>
